<compile_context>
chip_gen: v7x
topology: tpu7x:2x2x1
jax: 0.10.2.dev20260603
libtpu: 0.0.44.dev20260713+nightly
codegen_flags: <defaults>
</compile_context>

<pallas_src>
import functools

import jax
import jax.numpy as jnp
from jax import lax
from jax.experimental import pallas as pl
from jax.experimental.pallas import tpu as pltpu
from jax.experimental.pallas import tpu_sc as plsc

SOM0, SOM1 = 32, 32
K = SOM0 * SOM1
LAT = 64
HID = 256
INP = 512
B = 1024
RB = 1024
NBLK = B // RB
SENTINEL = K

_F32 = jnp.float32


def _dot(a, b, trans_b=False):
    dn = (((1,), (1 if trans_b else 0,)), ((), ()))
    return lax.dot_general(a, b, dimension_numbers=dn,
                           preferred_element_type=_F32)


def _sigmoid(v):
    return 1.0 / (1.0 + jnp.exp(-v))


def _tc_body(x_ref, e_ref, we1_ref, be1_ref, we2_ref, be2_ref,
             wq1_ref, bq1_ref, wq2_ref, bq2_ref,
             wd1_ref, bd1_ref, wd2_ref, bd2_ref,
             zet_ref, dist_ref, k_ref, idx8_ref, zq_ref, xq_ref, xe_ref):
    xb = x_ref[...]
    h = jnp.maximum(_dot(xb, we1_ref[...]) + be1_ref[...], 0.0)
    ze = jnp.maximum(_dot(h, we2_ref[...]) + be2_ref[...], 0.0)

    ze_t = jnp.maximum(
        lax.dot_general(we2_ref[...], h, dimension_numbers=(((0,), (1,)), ((), ())),
                        preferred_element_type=_F32) + be2_ref[...].reshape(LAT, 1),
        0.0)
    zet_ref[...] = ze_t

    e = e_ref[...]
    ze_hi = lax.convert_element_type(
        lax.convert_element_type(ze, jnp.bfloat16), _F32)
    ze_lo = ze - ze_hi
    eh = lax.convert_element_type(
        lax.convert_element_type(e, jnp.bfloat16), _F32)
    el = e - eh
    dots = (_dot(ze_hi, eh, trans_b=True) + _dot(ze_hi, el, trans_b=True)
            + _dot(ze_lo, eh, trans_b=True))
    e2 = jnp.sum(e * e, axis=1)
    ze2 = jnp.sum(ze * ze, axis=1, keepdims=True)
    dist = ze2 - 2.0 * dots + e2[None, :]
    dist_ref[...] = dist

    big = jnp.int32(2 ** 30)
    iota = lax.broadcasted_iota(jnp.int32, (RB, K), 1)
    m1 = jnp.min(dist, axis=1, keepdims=True)
    c1 = jnp.min(jnp.where(dist <= m1, iota, big), axis=1)
    masked = jnp.where(iota == c1[:, None], jnp.float32(jnp.inf), dist)
    m2 = jnp.min(masked, axis=1, keepdims=True)
    c2 = jnp.min(jnp.where(masked <= m2, iota, big), axis=1)
    oh1 = (iota == c1[:, None]).astype(_F32)
    oh2 = (iota == c2[:, None]).astype(_F32)
    e_hi = eh
    e_rest = el
    e_mid = lax.convert_element_type(
        lax.convert_element_type(e_rest, jnp.bfloat16), _F32)
    e_lo = e_rest - e_mid
    def _exact_gather(oh):
        return (_dot(oh, e_hi) + _dot(oh, e_mid)) + _dot(oh, e_lo)
    e1 = _exact_gather(oh1)
    e2r = _exact_gather(oh2)
    d1 = jnp.sum((ze - e1) ** 2, axis=1)
    d2 = jnp.sum((ze - e2r) ** 2, axis=1)
    take2 = (d2 < d1) | ((d2 == d1) & (c2 < c1))
    idx = jnp.where(take2, c2, c1)
    k_ref[...] = idx.reshape(1, 1, RB)

    zq = jnp.where(take2[:, None], e2r, e1)
    zq_ref[...] = zq

    col = lax.broadcasted_iota(jnp.int32, (RB, 8), 1)
    kb = idx[:, None]
    k2c = lax.bitwise_and(kb, SOM1 - 1)
    sent = jnp.int32(SENTINEL)
    v = jnp.where(col == 1, jnp.where(kb < K - SOM1, kb + SOM1, sent), kb)
    v = jnp.where(col == 2, jnp.where(kb >= SOM1, kb - SOM1, sent), v)
    v = jnp.where(col == 3, jnp.where(k2c < SOM1 - 1, kb + 1, sent), v)
    v = jnp.where(col == 4, jnp.where(k2c > 0, kb - 1, sent), v)
    v = jnp.where(col >= 5, sent, v)
    idx8_ref[...] = v

    hq = jnp.maximum(_dot(zq, wq1_ref[...]) + bq1_ref[...], 0.0)
    xq_ref[...] = _sigmoid(_dot(hq, wq2_ref[...]) + bq2_ref[...])
    hd = jnp.maximum(_dot(ze, wd1_ref[...]) + bd1_ref[...], 0.0)
    xe_ref[...] = _sigmoid(_dot(hd, wd2_ref[...]) + bd2_ref[...])


def _tc(x, e_flat, W_e1, b_e1, W_e2, b_e2, W_q1, b_q1, W_q2, b_q2,
        W_d1, b_d1, W_d2, b_d2):
    full = lambda shape: pl.BlockSpec(shape, lambda i: (0,) * len(shape))
    return pl.pallas_call(
        _tc_body,
        grid=(NBLK,),
        in_specs=[
            pl.BlockSpec((RB, INP), lambda i: (i, 0)),
            full((K, LAT)),
            full((INP, HID)), full((1, HID)),
            full((HID, LAT)), full((1, LAT)),
            full((LAT, HID)), full((1, HID)),
            full((HID, INP)), full((1, INP)),
            full((LAT, HID)), full((1, HID)),
            full((HID, INP)), full((1, INP)),
        ],
        out_specs=[
            pl.BlockSpec((LAT, RB), lambda i: (0, i)),
            pl.BlockSpec((RB, K), lambda i: (i, 0)),
            pl.BlockSpec((1, 1, RB), lambda i: (i, 0, 0)),
            pl.BlockSpec((RB, 8), lambda i: (i, 0)),
            pl.BlockSpec((RB, LAT), lambda i: (i, 0)),
            pl.BlockSpec((RB, INP), lambda i: (i, 0)),
            pl.BlockSpec((RB, INP), lambda i: (i, 0)),
        ],
        out_shape=[
            jax.ShapeDtypeStruct((LAT, B), _F32),
            jax.ShapeDtypeStruct((B, K), _F32),
            jax.ShapeDtypeStruct((NBLK, 1, RB), jnp.int32),
            jax.ShapeDtypeStruct((B, 8), jnp.int32),
            jax.ShapeDtypeStruct((B, LAT), _F32),
            jax.ShapeDtypeStruct((B, INP), _F32),
            jax.ShapeDtypeStruct((B, INP), _F32),
        ],
    )(x, e_flat, W_e1, b_e1, W_e2, b_e2, W_q1, b_q1, W_q2, b_q2,
      W_d1, b_d1, W_d2, b_d2)


def _sc_gather(idx5, table_pad):
    info = plsc.get_sparse_core_info()
    nc, ns = 1, info.num_subcores
    nw = nc * ns
    rows_w = B // nw
    nbr_h = rows_w * 5 // 4
    mesh = plsc.VectorSubcoreMesh(core_axis_name="c", subcore_axis_name="s",
                                  num_cores=1)

    @functools.partial(
        pl.kernel,
        out_type=jax.ShapeDtypeStruct((B * 5, LAT), _F32),
        mesh=mesh,
        compiler_params=pltpu.CompilerParams(use_tc_tiling_on_sc=False),
        scratch_types=[
            pltpu.VMEM((4 * nbr_h,), jnp.int32),
            pltpu.VMEM((4 * nbr_h, LAT), _F32),
            pltpu.SemaphoreType.DMA,
            pltpu.SemaphoreType.DMA,
            pltpu.SemaphoreType.DMA,
            pltpu.SemaphoreType.DMA,
        ],
    )
    def body(idx5_hbm, tab_hbm, nbr_hbm, nidx, nrows, sem0, sem1, sem2, sem3):
        wid = lax.axis_index("s")
        base5 = wid * rows_w * 5
        pltpu.sync_copy(idx5_hbm.at[pl.ds(base5, 4 * nbr_h)], nidx)
        cps = []
        for j, sem in enumerate((sem0, sem1, sem2, sem3)):
            cps.append(pltpu.async_copy(
                tab_hbm.at[nidx.at[pl.ds(j * nbr_h, nbr_h)]],
                nrows.at[pl.ds(j * nbr_h, nbr_h)], sem))
        for cp in cps:
            cp.wait()
        pltpu.sync_copy(nrows, nbr_hbm.at[pl.ds(base5, 4 * nbr_h)])

    return body(idx5, table_pad)


def kernel(x, embeddings, W_e1, b_e1, W_e2, b_e2, W_q1, b_q1, W_q2, b_q2,
           W_d1, b_d1, W_d2, b_d2):
    e_flat = embeddings.reshape(K, LAT)
    table_pad = jnp.concatenate([e_flat, jnp.zeros((8, LAT), _F32)], axis=0)

    (z_e_t, z_dist_flat, k_blk, idx8, z_q, x_hat_q, x_hat_e) = _tc(
        x, e_flat, W_e1, b_e1.reshape(1, HID), W_e2, b_e2.reshape(1, LAT),
        W_q1, b_q1.reshape(1, HID), W_q2, b_q2.reshape(1, INP),
        W_d1, b_d1.reshape(1, HID), W_d2, b_d2.reshape(1, INP))
    z_e = z_e_t.T
    k = k_blk.reshape(B)
    idx5 = idx8[:, :5].reshape(B * 5)

    nbr = _sc_gather(idx5, table_pad)
    z_q_neighbors = nbr.reshape(B, 5, LAT)

    return (x_hat_q, x_hat_e, z_e, z_q, k, z_dist_flat, z_q_neighbors)

# --- scband reference (transcript-rebuilt; emitter-appended) ---
"""Pipeline reference for scband-somvae-1005022347586 (READ-ONLY COPY).

The authoritative reference and input builder live on the scoring server;
editing this copy changes nothing except your own understanding.
"""

import jax, jax.numpy as jnp
import numpy as np

SOM = (32, 32)
LAT = 64
HID = 256
INP = 512
B = 1024


def setup_inputs(seed: int = 0) -> dict:
    key = jax.random.key(seed)
    ks = jax.random.split(key, 12)
    x = jax.random.normal(ks[0], (B, INP), dtype=jnp.float32)
    embeddings = jax.random.truncated_normal(ks[1], -2.0, 2.0, (SOM[0], SOM[1], LAT), dtype=jnp.float32) * 0.05

    def lin_w(k, fi, fo):
        return jax.random.normal(k, (fi, fo), dtype=jnp.float32) * (1.0 / np.sqrt(fi))

    W_e1 = lin_w(ks[2], INP, HID); b_e1 = jnp.zeros((HID,), jnp.float32)
    W_e2 = lin_w(ks[3], HID, LAT); b_e2 = jnp.zeros((LAT,), jnp.float32)
    W_q1 = lin_w(ks[4], LAT, HID); b_q1 = jnp.zeros((HID,), jnp.float32)
    W_q2 = lin_w(ks[5], HID, INP); b_q2 = jnp.zeros((INP,), jnp.float32)
    W_d1 = lin_w(ks[6], LAT, HID); b_d1 = jnp.zeros((HID,), jnp.float32)
    W_d2 = lin_w(ks[7], HID, INP); b_d2 = jnp.zeros((INP,), jnp.float32)
    return {
        'x': x, 'embeddings': embeddings,
        'W_e1': W_e1, 'b_e1': b_e1, 'W_e2': W_e2, 'b_e2': b_e2,
        'W_q1': W_q1, 'b_q1': b_q1, 'W_q2': W_q2, 'b_q2': b_q2,
        'W_d1': W_d1, 'b_d1': b_d1, 'W_d2': W_d2, 'b_d2': b_d2,
    }


def reference(x, embeddings, W_e1, b_e1, W_e2, b_e2, W_q1, b_q1, W_q2, b_q2, W_d1, b_d1, W_d2, b_d2):
    # encoder
    h = jax.nn.relu(x @ W_e1 + b_e1)
    z_e = jax.nn.relu(h @ W_e2 + b_e2)
    # squared euclidean distance to every SOM embedding
    diff = z_e[:, None, None, :] - embeddings[None, :, :, :]
    z_dist_flat = jnp.sum(diff * diff, axis=-1).reshape(z_e.shape[0], -1)
    # closest embedding index
    k = jnp.argmin(z_dist_flat, axis=-1)
    k_1 = k // SOM[1]
    k_2 = k % SOM[1]
    # z_q via gather_nd
    z_q = embeddings[k_1, k_2]
    # neighbors
    k1_not_top = k_1 < SOM[0] - 1
    k1_not_bottom = k_1 > 0
    k2_not_right = k_2 < SOM[1] - 1
    k2_not_left = k_2 > 0
    k1_up = jnp.where(k1_not_top, k_1 + 1, k_1)
    k1_down = jnp.where(k1_not_bottom, k_1 - 1, k_1)
    k2_right = jnp.where(k2_not_right, k_2 + 1, k_2)
    k2_left = jnp.where(k2_not_left, k_2 - 1, k_2)
    z_q_up = jnp.where(k1_not_top[:, None], embeddings[k1_up, k_2], 0.0)
    z_q_down = jnp.where(k1_not_bottom[:, None], embeddings[k1_down, k_2], 0.0)
    z_q_right = jnp.where(k2_not_right[:, None], embeddings[k_1, k2_right], 0.0)
    z_q_left = jnp.where(k2_not_left[:, None], embeddings[k_1, k2_left], 0.0)
    z_q_neighbors = jnp.stack([z_q, z_q_up, z_q_down, z_q_right, z_q_left], axis=1)
    # decoders
    x_hat_q = jax.nn.sigmoid(jax.nn.relu(z_q @ W_q1 + b_q1) @ W_q2 + b_q2)
    x_hat_e = jax.nn.sigmoid(jax.nn.relu(z_e @ W_d1 + b_d1) @ W_d2 + b_d2)
    return (x_hat_q, x_hat_e, z_e, z_q, k, z_dist_flat, z_q_neighbors)

if __name__ == "__main__":
    import jax
    _d = setup_inputs()
    print(jax.jit(kernel)(*tuple(_d.values())))

</pallas_src>

<mosaic_0001>
#map = affine_map<(d0, d1) -> (0)>
#map1 = affine_map<(d0, d1) -> (0, 0)>
module attributes {stable_mosaic.version = 14 : i64} {
  func.func @body(%arg0: i32, %arg1: i32, %arg2: memref<5120xi32, #tpu.memory_space<hbm>>, %arg3: memref<1032x64xf32, #tpu.memory_space<hbm>>, %arg4: memref<5120x64xf32, #tpu.memory_space<hbm>>, %arg5: memref<320xi32, #tpu.memory_space<vmem>>, %arg6: memref<320x64xf32, #tpu.memory_space<vmem>>, %arg7: memref<!tpu.dma_semaphore, #tpu.memory_space<semaphore_mem>>, %arg8: memref<!tpu.dma_semaphore, #tpu.memory_space<semaphore_mem>>, %arg9: memref<!tpu.dma_semaphore, #tpu.memory_space<semaphore_mem>>, %arg10: memref<!tpu.dma_semaphore, #tpu.memory_space<semaphore_mem>>) attributes {dimension_semantics = [#tpu.dimension_semantics<core_parallel>, #tpu.dimension_semantics<subcore_parallel>], iteration_bounds = array<i64: 1, 16>, scalar_prefetch = 0 : i64, scratch_operands = 6 : i64, tpu.core_type = #tpu.core_type<sc_vector_subcore>, window_params = [{transform_indices = #map}, {transform_indices = #map1}, {transform_indices = #map1}]} {
    %mul3A = arith.constant 64 : i32
    %mul3A_0 = arith.muli %arg1, %mul3A : i32
    %mul3A_1 = arith.constant 5 : i32
    %mul3A_2 = arith.muli %mul3A_0, %mul3A_1 : i32
    "tpu.region"() ({
      %run_scoped3A = tpu.sem_alloc : memref<!tpu.dma_semaphore, #tpu.memory_space<semaphore_mem>>
      %dma_start3A_65 = tpu.memref_slice %arg2[%mul3A_2] : memref<5120xi32, #tpu.memory_space<hbm>> -> memref<320xi32, #tpu.memory_space<hbm>>
      %dma_start3A_66 = tpu.memref_slice %arg2[%mul3A_2] : memref<5120xi32, #tpu.memory_space<hbm>> -> memref<320xi32, #tpu.memory_space<hbm>>
      tpu.enqueue_dma source(%dma_start3A_66 : memref<320xi32, #tpu.memory_space<hbm>>) target(%arg5 : memref<320xi32, #tpu.memory_space<vmem>>) target_semaphore(%run_scoped3A : memref<!tpu.dma_semaphore, #tpu.memory_space<semaphore_mem>>)
      %dma_wait3A_67 = tpu.memref_slice %arg2[%mul3A_2] : memref<5120xi32, #tpu.memory_space<hbm>> -> memref<320xi32, #tpu.memory_space<hbm>>
      %dma_wait3A_68 = tpu.memref_slice %arg2[%mul3A_2] : memref<5120xi32, #tpu.memory_space<hbm>> -> memref<320xi32, #tpu.memory_space<hbm>>
      tpu.wait_dma2 semaphore(%run_scoped3A : memref<!tpu.dma_semaphore, #tpu.memory_space<semaphore_mem>>) src(%dma_wait3A_68 : memref<320xi32, #tpu.memory_space<hbm>>) dst(%arg5 : memref<320xi32, #tpu.memory_space<vmem>>)
      tpu.yield
    }) : () -> ()
    %dma_start3A = arith.constant 0 : i32
    %dma_start3A_3 = arith.constant 0 : i32
    %dma_start3A_4 = tpu.memref_slice %arg6[%dma_start3A, %dma_start3A_3] : memref<320x64xf32, #tpu.memory_space<vmem>> -> memref<80x64xf32, #tpu.memory_space<vmem>>
    %dma_start3A_5 = arith.constant 0 : i32
    %dma_start3A_6 = tpu.memref_slice %arg5[%dma_start3A_5] : memref<320xi32, #tpu.memory_space<vmem>> -> memref<80xi32, #tpu.memory_space<vmem>>
    %dma_start3A_7 = arith.constant 0 : i32
    %dma_start3A_8 = arith.constant 0 : i32
    %dma_start3A_9 = tpu.memref_slice %arg3[%dma_start3A_7, %dma_start3A_8] : memref<1032x64xf32, #tpu.memory_space<hbm>> -> memref<1032x64xf32, #tpu.memory_space<hbm>>
    tpu.enqueue_indirect_dma source(%dma_start3A_9 : memref<1032x64xf32, #tpu.memory_space<hbm>>) target(%dma_start3A_4 : memref<80x64xf32, #tpu.memory_space<vmem>>) offsets(%dma_start3A_6 : memref<80xi32, #tpu.memory_space<vmem>>) semaphore(%arg7 : memref<!tpu.dma_semaphore, #tpu.memory_space<semaphore_mem>>)
    %dma_start3A_10 = arith.constant 80 : i32
    %dma_start3A_11 = arith.constant 0 : i32
    %dma_start3A_12 = tpu.memref_slice %arg6[%dma_start3A_10, %dma_start3A_11] : memref<320x64xf32, #tpu.memory_space<vmem>> -> memref<80x64xf32, #tpu.memory_space<vmem>>
    %dma_start3A_13 = arith.constant 80 : i32
    %dma_start3A_14 = tpu.memref_slice %arg5[%dma_start3A_13] : memref<320xi32, #tpu.memory_space<vmem>> -> memref<80xi32, #tpu.memory_space<vmem>>
    %dma_start3A_15 = arith.constant 0 : i32
    %dma_start3A_16 = arith.constant 0 : i32
    %dma_start3A_17 = tpu.memref_slice %arg3[%dma_start3A_15, %dma_start3A_16] : memref<1032x64xf32, #tpu.memory_space<hbm>> -> memref<1032x64xf32, #tpu.memory_space<hbm>>
    tpu.enqueue_indirect_dma source(%dma_start3A_17 : memref<1032x64xf32, #tpu.memory_space<hbm>>) target(%dma_start3A_12 : memref<80x64xf32, #tpu.memory_space<vmem>>) offsets(%dma_start3A_14 : memref<80xi32, #tpu.memory_space<vmem>>) semaphore(%arg8 : memref<!tpu.dma_semaphore, #tpu.memory_space<semaphore_mem>>)
    %dma_start3A_18 = arith.constant 160 : i32
    %dma_start3A_19 = arith.constant 0 : i32
    %dma_start3A_20 = tpu.memref_slice %arg6[%dma_start3A_18, %dma_start3A_19] : memref<320x64xf32, #tpu.memory_space<vmem>> -> memref<80x64xf32, #tpu.memory_space<vmem>>
    %dma_start3A_21 = arith.constant 160 : i32
    %dma_start3A_22 = tpu.memref_slice %arg5[%dma_start3A_21] : memref<320xi32, #tpu.memory_space<vmem>> -> memref<80xi32, #tpu.memory_space<vmem>>
    %dma_start3A_23 = arith.constant 0 : i32
    %dma_start3A_24 = arith.constant 0 : i32
    %dma_start3A_25 = tpu.memref_slice %arg3[%dma_start3A_23, %dma_start3A_24] : memref<1032x64xf32, #tpu.memory_space<hbm>> -> memref<1032x64xf32, #tpu.memory_space<hbm>>
    tpu.enqueue_indirect_dma source(%dma_start3A_25 : memref<1032x64xf32, #tpu.memory_space<hbm>>) target(%dma_start3A_20 : memref<80x64xf32, #tpu.memory_space<vmem>>) offsets(%dma_start3A_22 : memref<80xi32, #tpu.memory_space<vmem>>) semaphore(%arg9 : memref<!tpu.dma_semaphore, #tpu.memory_space<semaphore_mem>>)
    %dma_start3A_26 = arith.constant 240 : i32
    %dma_start3A_27 = arith.constant 0 : i32
    %dma_start3A_28 = tpu.memref_slice %arg6[%dma_start3A_26, %dma_start3A_27] : memref<320x64xf32, #tpu.memory_space<vmem>> -> memref<80x64xf32, #tpu.memory_space<vmem>>
    %dma_start3A_29 = arith.constant 240 : i32
    %dma_start3A_30 = tpu.memref_slice %arg5[%dma_start3A_29] : memref<320xi32, #tpu.memory_space<vmem>> -> memref<80xi32, #tpu.memory_space<vmem>>
    %dma_start3A_31 = arith.constant 0 : i32
    %dma_start3A_32 = arith.constant 0 : i32
    %dma_start3A_33 = tpu.memref_slice %arg3[%dma_start3A_31, %dma_start3A_32] : memref<1032x64xf32, #tpu.memory_space<hbm>> -> memref<1032x64xf32, #tpu.memory_space<hbm>>
    tpu.enqueue_indirect_dma source(%dma_start3A_33 : memref<1032x64xf32, #tpu.memory_space<hbm>>) target(%dma_start3A_28 : memref<80x64xf32, #tpu.memory_space<vmem>>) offsets(%dma_start3A_30 : memref<80xi32, #tpu.memory_space<vmem>>) semaphore(%arg10 : memref<!tpu.dma_semaphore, #tpu.memory_space<semaphore_mem>>)
    %dma_wait3A = arith.constant 0 : i32
    %dma_wait3A_34 = arith.constant 0 : i32
    %dma_wait3A_35 = tpu.memref_slice %arg6[%dma_wait3A, %dma_wait3A_34] : memref<320x64xf32, #tpu.memory_space<vmem>> -> memref<80x64xf32, #tpu.memory_space<vmem>>
    %dma_wait3A_36 = arith.constant 0 : i32
    %dma_wait3A_37 = tpu.memref_slice %arg5[%dma_wait3A_36] : memref<320xi32, #tpu.memory_space<vmem>> -> memref<80xi32, #tpu.memory_space<vmem>>
    %dma_wait3A_38 = arith.constant 0 : i32
    %dma_wait3A_39 = arith.constant 0 : i32
    %dma_wait3A_40 = tpu.memref_slice %arg3[%dma_wait3A_38, %dma_wait3A_39] : memref<1032x64xf32, #tpu.memory_space<hbm>> -> memref<1032x64xf32, #tpu.memory_space<hbm>>
    tpu.wait_indirect_dma semaphore(%arg7 : memref<!tpu.dma_semaphore, #tpu.memory_space<semaphore_mem>>) src(%dma_wait3A_40 : memref<1032x64xf32, #tpu.memory_space<hbm>>) dst(%dma_wait3A_35 : memref<80x64xf32, #tpu.memory_space<vmem>>)
    %dma_wait3A_41 = arith.constant 80 : i32
    %dma_wait3A_42 = arith.constant 0 : i32
    %dma_wait3A_43 = tpu.memref_slice %arg6[%dma_wait3A_41, %dma_wait3A_42] : memref<320x64xf32, #tpu.memory_space<vmem>> -> memref<80x64xf32, #tpu.memory_space<vmem>>
    %dma_wait3A_44 = arith.constant 80 : i32
    %dma_wait3A_45 = tpu.memref_slice %arg5[%dma_wait3A_44] : memref<320xi32, #tpu.memory_space<vmem>> -> memref<80xi32, #tpu.memory_space<vmem>>
    %dma_wait3A_46 = arith.constant 0 : i32
    %dma_wait3A_47 = arith.constant 0 : i32
    %dma_wait3A_48 = tpu.memref_slice %arg3[%dma_wait3A_46, %dma_wait3A_47] : memref<1032x64xf32, #tpu.memory_space<hbm>> -> memref<1032x64xf32, #tpu.memory_space<hbm>>
    tpu.wait_indirect_dma semaphore(%arg8 : memref<!tpu.dma_semaphore, #tpu.memory_space<semaphore_mem>>) src(%dma_wait3A_48 : memref<1032x64xf32, #tpu.memory_space<hbm>>) dst(%dma_wait3A_43 : memref<80x64xf32, #tpu.memory_space<vmem>>)
    %dma_wait3A_49 = arith.constant 160 : i32
    %dma_wait3A_50 = arith.constant 0 : i32
    %dma_wait3A_51 = tpu.memref_slice %arg6[%dma_wait3A_49, %dma_wait3A_50] : memref<320x64xf32, #tpu.memory_space<vmem>> -> memref<80x64xf32, #tpu.memory_space<vmem>>
    %dma_wait3A_52 = arith.constant 160 : i32
    %dma_wait3A_53 = tpu.memref_slice %arg5[%dma_wait3A_52] : memref<320xi32, #tpu.memory_space<vmem>> -> memref<80xi32, #tpu.memory_space<vmem>>
    %dma_wait3A_54 = arith.constant 0 : i32
    %dma_wait3A_55 = arith.constant 0 : i32
    %dma_wait3A_56 = tpu.memref_slice %arg3[%dma_wait3A_54, %dma_wait3A_55] : memref<1032x64xf32, #tpu.memory_space<hbm>> -> memref<1032x64xf32, #tpu.memory_space<hbm>>
    tpu.wait_indirect_dma semaphore(%arg9 : memref<!tpu.dma_semaphore, #tpu.memory_space<semaphore_mem>>) src(%dma_wait3A_56 : memref<1032x64xf32, #tpu.memory_space<hbm>>) dst(%dma_wait3A_51 : memref<80x64xf32, #tpu.memory_space<vmem>>)
    %dma_wait3A_57 = arith.constant 240 : i32
    %dma_wait3A_58 = arith.constant 0 : i32
    %dma_wait3A_59 = tpu.memref_slice %arg6[%dma_wait3A_57, %dma_wait3A_58] : memref<320x64xf32, #tpu.memory_space<vmem>> -> memref<80x64xf32, #tpu.memory_space<vmem>>
    %dma_wait3A_60 = arith.constant 240 : i32
    %dma_wait3A_61 = tpu.memref_slice %arg5[%dma_wait3A_60] : memref<320xi32, #tpu.memory_space<vmem>> -> memref<80xi32, #tpu.memory_space<vmem>>
    %dma_wait3A_62 = arith.constant 0 : i32
    %dma_wait3A_63 = arith.constant 0 : i32
    %dma_wait3A_64 = tpu.memref_slice %arg3[%dma_wait3A_62, %dma_wait3A_63] : memref<1032x64xf32, #tpu.memory_space<hbm>> -> memref<1032x64xf32, #tpu.memory_space<hbm>>
    tpu.wait_indirect_dma semaphore(%arg10 : memref<!tpu.dma_semaphore, #tpu.memory_space<semaphore_mem>>) src(%dma_wait3A_64 : memref<1032x64xf32, #tpu.memory_space<hbm>>) dst(%dma_wait3A_59 : memref<80x64xf32, #tpu.memory_space<vmem>>)
    "tpu.region"() ({
      %run_scoped3A = tpu.sem_alloc : memref<!tpu.dma_semaphore, #tpu.memory_space<semaphore_mem>>
      %dma_start3A_65 = arith.constant 0 : i32
      %dma_start3A_66 = tpu.memref_slice %arg4[%mul3A_2, %dma_start3A_65] : memref<5120x64xf32, #tpu.memory_space<hbm>> -> memref<320x64xf32, #tpu.memory_space<hbm>>
      %dma_start3A_67 = arith.constant 0 : i32
      %dma_start3A_68 = tpu.memref_slice %arg4[%mul3A_2, %dma_start3A_67] : memref<5120x64xf32, #tpu.memory_space<hbm>> -> memref<320x64xf32, #tpu.memory_space<hbm>>
      tpu.enqueue_dma source(%arg6 : memref<320x64xf32, #tpu.memory_space<vmem>>) target(%dma_start3A_68 : memref<320x64xf32, #tpu.memory_space<hbm>>) target_semaphore(%run_scoped3A : memref<!tpu.dma_semaphore, #tpu.memory_space<semaphore_mem>>)
      %dma_wait3A_69 = arith.constant 0 : i32
      %dma_wait3A_70 = tpu.memref_slice %arg4[%mul3A_2, %dma_wait3A_69] : memref<5120x64xf32, #tpu.memory_space<hbm>> -> memref<320x64xf32, #tpu.memory_space<hbm>>
      %dma_wait3A_71 = arith.constant 0 : i32
      %dma_wait3A_72 = tpu.memref_slice %arg4[%mul3A_2, %dma_wait3A_71] : memref<5120x64xf32, #tpu.memory_space<hbm>> -> memref<320x64xf32, #tpu.memory_space<hbm>>
      tpu.wait_dma2 semaphore(%run_scoped3A : memref<!tpu.dma_semaphore, #tpu.memory_space<semaphore_mem>>) src(%arg6 : memref<320x64xf32, #tpu.memory_space<vmem>>) dst(%dma_wait3A_72 : memref<320x64xf32, #tpu.memory_space<hbm>>)
      tpu.yield
    }) : () -> ()
    return
  }
}

module attributes {stable_mosaic.version = 14 : i64} {
  func.func @_tc_body(%arg0: i32, %arg1: memref<1024x512xf32, #tpu.memory_space<vmem>>, %arg2: memref<1024x64xf32, #tpu.memory_space<vmem>>, %arg3: memref<512x256xf32, #tpu.memory_space<vmem>>, %arg4: memref<1x256xf32, #tpu.memory_space<vmem>>, %arg5: memref<256x64xf32, #tpu.memory_space<vmem>>, %arg6: memref<1x64xf32, #tpu.memory_space<vmem>>, %arg7: memref<64x256xf32, #tpu.memory_space<vmem>>, %arg8: memref<1x256xf32, #tpu.memory_space<vmem>>, %arg9: memref<256x512xf32, #tpu.memory_space<vmem>>, %arg10: memref<1x512xf32, #tpu.memory_space<vmem>>, %arg11: memref<64x256xf32, #tpu.memory_space<vmem>>, %arg12: memref<1x256xf32, #tpu.memory_space<vmem>>, %arg13: memref<256x512xf32, #tpu.memory_space<vmem>>, %arg14: memref<1x512xf32, #tpu.memory_space<vmem>>, %arg15: memref<64x1024xf32, #tpu.memory_space<vmem>>, %arg16: memref<1024x1024xf32, #tpu.memory_space<vmem>>, %arg17: memref<1x1x1024xi32, #tpu.memory_space<vmem>>, %arg18: memref<1024x8xi32, #tpu.memory_space<vmem>>, %arg19: memref<1024x64xf32, #tpu.memory_space<vmem>>, %arg20: memref<1024x512xf32, #tpu.memory_space<vmem>>, %arg21: memref<1024x512xf32, #tpu.memory_space<vmem>>) attributes {dimension_semantics = [#tpu.dimension_semantics<arbitrary>], iteration_bounds = array<i64: 1>, scalar_prefetch = 0 : i64, scratch_operands = 0 : i64, tpu.core_type = #tpu.core_type<tc>, window_params = [{transform_indices = @transform_0, window_bounds = array<i64: 1024, 512>}, {pipeline_mode = #tpu.pipeline_mode<synchronous>, transform_indices = @transform_1, window_bounds = array<i64: 1024, 64>}, {pipeline_mode = #tpu.pipeline_mode<synchronous>, transform_indices = @transform_2, window_bounds = array<i64: 512, 256>}, {pipeline_mode = #tpu.pipeline_mode<synchronous>, transform_indices = @transform_3, window_bounds = array<i64: 1, 256>}, {pipeline_mode = #tpu.pipeline_mode<synchronous>, transform_indices = @transform_4, window_bounds = array<i64: 256, 64>}, {pipeline_mode = #tpu.pipeline_mode<synchronous>, transform_indices = @transform_5, window_bounds = array<i64: 1, 64>}, {pipeline_mode = #tpu.pipeline_mode<synchronous>, transform_indices = @transform_6, window_bounds = array<i64: 64, 256>}, {pipeline_mode = #tpu.pipeline_mode<synchronous>, transform_indices = @transform_7, window_bounds = array<i64: 1, 256>}, {pipeline_mode = #tpu.pipeline_mode<synchronous>, transform_indices = @transform_8, window_bounds = array<i64: 256, 512>}, {pipeline_mode = #tpu.pipeline_mode<synchronous>, transform_indices = @transform_9, window_bounds = array<i64: 1, 512>}, {pipeline_mode = #tpu.pipeline_mode<synchronous>, transform_indices = @transform_10, window_bounds = array<i64: 64, 256>}, {pipeline_mode = #tpu.pipeline_mode<synchronous>, transform_indices = @transform_11, window_bounds = array<i64: 1, 256>}, {pipeline_mode = #tpu.pipeline_mode<synchronous>, transform_indices = @transform_12, window_bounds = array<i64: 256, 512>}, {pipeline_mode = #tpu.pipeline_mode<synchronous>, transform_indices = @transform_13, window_bounds = array<i64: 1, 512>}, {transform_indices = @transform_14, window_bounds = array<i64: 64, 1024>}, {transform_indices = @transform_15, window_bounds = array<i64: 1024, 1024>}, {transform_indices = @transform_16, window_bounds = array<i64: 1, 1, 1024>}, {transform_indices = @transform_17, window_bounds = array<i64: 1024, 8>}, {transform_indices = @transform_18, window_bounds = array<i64: 1024, 64>}, {transform_indices = @transform_19, window_bounds = array<i64: 1024, 512>}, {transform_indices = @transform_20, window_bounds = array<i64: 1024, 512>}]} {
    %get3A = arith.constant 0 : index
    %get3A_0 = arith.constant 0 : index
    %get3A_1 = vector.load %arg1[%get3A, %get3A_0] : memref<1024x512xf32, #tpu.memory_space<vmem>>, vector<1024x512xf32>
    %get3A_2 = arith.constant 0 : index
    %get3A_3 = arith.constant 0 : index
    %get3A_4 = vector.load %arg3[%get3A_2, %get3A_3] : memref<512x256xf32, #tpu.memory_space<vmem>>, vector<512x256xf32>
    %dot_general3A = arith.constant dense<0.000000e+00> : vector<1024x256xf32>
    %dot_general3A_5 = tpu.matmul %get3A_1, %get3A_4, %dot_general3A {dimension_numbers = #tpu.dot_dimension_numbers<[1], [0], [0], [1], [0, 0, 1, 1], [], []>, transpose_lhs_hint = false} : vector<1024x512xf32>, vector<512x256xf32>, vector<1024x256xf32> -> vector<1024x256xf32>
    %get3A_6 = arith.constant 0 : index
    %get3A_7 = arith.constant 0 : index
    %get3A_8 = vector.load %arg4[%get3A_6, %get3A_7] : memref<1x256xf32, #tpu.memory_space<vmem>>, vector<1x256xf32>
    %add3A = vector.broadcast %get3A_8 : vector<1x256xf32> to vector<1024x256xf32>
    %add3A_9 = arith.addf %dot_general3A_5, %add3A : vector<1024x256xf32>
    %max3A = arith.constant 0.000000e+00 : f32
    %max3A_10 = vector.broadcast %max3A : f32 to vector<1024x256xf32>
    %max3A_11 = arith.maximumf %add3A_9, %max3A_10 : vector<1024x256xf32>
    %get3A_12 = arith.constant 0 : index
    %get3A_13 = arith.constant 0 : index
    %get3A_14 = vector.load %arg5[%get3A_12, %get3A_13] : memref<256x64xf32, #tpu.memory_space<vmem>>, vector<256x64xf32>
    %dot_general3A_15 = arith.constant dense<0.000000e+00> : vector<1024x64xf32>
    %dot_general3A_16 = tpu.matmul %max3A_11, %get3A_14, %dot_general3A_15 {dimension_numbers = #tpu.dot_dimension_numbers<[1], [0], [0], [1], [0, 0, 1, 1], [], []>, transpose_lhs_hint = false} : vector<1024x256xf32>, vector<256x64xf32>, vector<1024x64xf32> -> vector<1024x64xf32>
    %get3A_17 = arith.constant 0 : index
    %get3A_18 = arith.constant 0 : index
    %get3A_19 = vector.load %arg6[%get3A_17, %get3A_18] : memref<1x64xf32, #tpu.memory_space<vmem>>, vector<1x64xf32>
    %add3A_20 = vector.broadcast %get3A_19 : vector<1x64xf32> to vector<1024x64xf32>
    %add3A_21 = arith.addf %dot_general3A_16, %add3A_20 : vector<1024x64xf32>
    %max3A_22 = arith.constant 0.000000e+00 : f32
    %max3A_23 = vector.broadcast %max3A_22 : f32 to vector<1024x64xf32>
    %max3A_24 = arith.maximumf %add3A_21, %max3A_23 : vector<1024x64xf32>
    %get3A_25 = arith.constant 0 : index
    %get3A_26 = arith.constant 0 : index
    %get3A_27 = vector.load %arg5[%get3A_25, %get3A_26] : memref<256x64xf32, #tpu.memory_space<vmem>>, vector<256x64xf32>
    %dot_general3A_28 = arith.constant dense<0.000000e+00> : vector<64x1024xf32>
    %dot_general3A_29 = tpu.matmul %get3A_27, %max3A_11, %dot_general3A_28 {dimension_numbers = #tpu.dot_dimension_numbers<[0], [1], [1], [0], [0, 1, 1, 0], [], []>, transpose_lhs_hint = false} : vector<256x64xf32>, vector<1024x256xf32>, vector<64x1024xf32> -> vector<64x1024xf32>
    %get3A_30 = arith.constant 0 : index
    %get3A_31 = arith.constant 0 : index
    %get3A_32 = vector.load %arg6[%get3A_30, %get3A_31] : memref<1x64xf32, #tpu.memory_space<vmem>>, vector<1x64xf32>
    %reshape3A = vector.shape_cast %get3A_32 : vector<1x64xf32> to vector<64x1xf32>
    %add3A_33 = vector.broadcast %reshape3A : vector<64x1xf32> to vector<64x1024xf32>
    %add3A_34 = arith.addf %dot_general3A_29, %add3A_33 : vector<64x1024xf32>
    %max3A_35 = arith.constant 0.000000e+00 : f32
    %max3A_36 = vector.broadcast %max3A_35 : f32 to vector<64x1024xf32>
    %max3A_37 = arith.maximumf %add3A_34, %max3A_36 : vector<64x1024xf32>
    %swap3A = arith.constant 0 : index
    %swap3A_38 = arith.constant 0 : index
    %swap3A_39 = vector.load %arg15[%swap3A, %swap3A_38] : memref<64x1024xf32, #tpu.memory_space<vmem>>, vector<64x1024xf32>
    tpu.vector_store %arg15[%swap3A, %swap3A_38], %max3A_37 {strides = array<i32>} : memref<64x1024xf32, #tpu.memory_space<vmem>>, vector<64x1024xf32>,
    %get3A_40 = arith.constant 0 : index
    %get3A_41 = arith.constant 0 : index
    %get3A_42 = vector.load %arg2[%get3A_40, %get3A_41] : memref<1024x64xf32, #tpu.memory_space<vmem>>, vector<1024x64xf32>
    %convert_element_type3A = arith.truncf %max3A_24 : vector<1024x64xf32> to vector<1024x64xbf16>
    %convert_element_type3A_43 = arith.extf %convert_element_type3A : vector<1024x64xbf16> to vector<1024x64xf32>
    %sub3A = arith.subf %max3A_24, %convert_element_type3A_43 : vector<1024x64xf32>
    %convert_element_type3A_44 = arith.truncf %get3A_42 : vector<1024x64xf32> to vector<1024x64xbf16>
    %convert_element_type3A_45 = arith.extf %convert_element_type3A_44 : vector<1024x64xbf16> to vector<1024x64xf32>
    %sub3A_46 = arith.subf %get3A_42, %convert_element_type3A_45 : vector<1024x64xf32>
    %dot_general3A_47 = arith.constant dense<0.000000e+00> : vector<1024x1024xf32>
    %dot_general3A_48 = tpu.matmul %convert_element_type3A_43, %convert_element_type3A_45, %dot_general3A_47 {dimension_numbers = #tpu.dot_dimension_numbers<[1], [1], [0], [0], [0, 0, 1, 0], [], []>, transpose_lhs_hint = false} : vector<1024x64xf32>, vector<1024x64xf32>, vector<1024x1024xf32> -> vector<1024x1024xf32>
    %dot_general3A_49 = arith.constant dense<0.000000e+00> : vector<1024x1024xf32>
    %dot_general3A_50 = tpu.matmul %convert_element_type3A_43, %sub3A_46, %dot_general3A_49 {dimension_numbers = #tpu.dot_dimension_numbers<[1], [1], [0], [0], [0, 0, 1, 0], [], []>, transpose_lhs_hint = false} : vector<1024x64xf32>, vector<1024x64xf32>, vector<1024x1024xf32> -> vector<1024x1024xf32>
    %add3A_51 = arith.addf %dot_general3A_48, %dot_general3A_50 : vector<1024x1024xf32>
    %dot_general3A_52 = arith.constant dense<0.000000e+00> : vector<1024x1024xf32>
    %dot_general3A_53 = tpu.matmul %sub3A, %convert_element_type3A_45, %dot_general3A_52 {dimension_numbers = #tpu.dot_dimension_numbers<[1], [1], [0], [0], [0, 0, 1, 0], [], []>, transpose_lhs_hint = false} : vector<1024x64xf32>, vector<1024x64xf32>, vector<1024x1024xf32> -> vector<1024x1024xf32>
    %add3A_54 = arith.addf %add3A_51, %dot_general3A_53 : vector<1024x1024xf32>
    %mul3A = arith.mulf %get3A_42, %get3A_42 : vector<1024x64xf32>
    %reduce_sum3A = arith.constant dense<0.000000e+00> : vector<1024xf32>
    %reduce_sum3A_55 = vector.multi_reduction <add>, %mul3A, %reduce_sum3A [1] : vector<1024x64xf32> to vector<1024xf32>
    %mul3A_56 = arith.mulf %max3A_24, %max3A_24 : vector<1024x64xf32>
    %reduce_sum3A_57 = arith.constant dense<0.000000e+00> : vector<1024xf32>
    %reduce_sum3A_58 = vector.multi_reduction <add>, %mul3A_56, %reduce_sum3A_57 [1] : vector<1024x64xf32> to vector<1024xf32>
    %broadcast_in_dim3A = vector.shape_cast %reduce_sum3A_58 : vector<1024xf32> to vector<1024x1xf32>
    %mul3A_59 = arith.constant 2.000000e+00 : f32
    %mul3A_60 = vector.broadcast %mul3A_59 : f32 to vector<1024x1024xf32>
    %mul3A_61 = arith.mulf %mul3A_60, %add3A_54 : vector<1024x1024xf32>
    %sub3A_62 = vector.broadcast %broadcast_in_dim3A : vector<1024x1xf32> to vector<1024x1024xf32>
    %sub3A_63 = arith.subf %sub3A_62, %mul3A_61 : vector<1024x1024xf32>
    %broadcast_in_dim3A_64 = vector.shape_cast %reduce_sum3A_55 : vector<1024xf32> to vector<1x1024xf32>
    %add3A_65 = vector.broadcast %broadcast_in_dim3A_64 : vector<1x1024xf32> to vector<1024x1024xf32>
    %add3A_66 = arith.addf %sub3A_63, %add3A_65 : vector<1024x1024xf32>
    %swap3A_67 = arith.constant 0 : index
    %swap3A_68 = arith.constant 0 : index
    %swap3A_69 = vector.load %arg16[%swap3A_67, %swap3A_68] : memref<1024x1024xf32, #tpu.memory_space<vmem>>, vector<1024x1024xf32>
    tpu.vector_store %arg16[%swap3A_67, %swap3A_68], %add3A_66 {strides = array<i32>} : memref<1024x1024xf32, #tpu.memory_space<vmem>>, vector<1024x1024xf32>,
    %iota3A = tpu.iota {dimensions = array<i32: 1>} : vector<1024x1024xi32>
    %reduce_min3A = arith.constant dense<0x7F800000> : vector<1024xf32>
    %reduce_min3A_70 = vector.multi_reduction <minimumf>, %add3A_66, %reduce_min3A [1] : vector<1024x1024xf32> to vector<1024xf32>
    %broadcast_in_dim3A_71 = vector.shape_cast %reduce_min3A_70 : vector<1024xf32> to vector<1024x1xf32>
    %le3A = vector.broadcast %broadcast_in_dim3A_71 : vector<1024x1xf32> to vector<1024x1024xf32>
    %le3A_72 = arith.cmpf ole, %add3A_66, %le3A : vector<1024x1024xf32>
    %jit3A = arith.constant 1073741824 : i32
    %broadcast_in_dim3A_73 = vector.broadcast %jit3A : i32 to vector<1024x1024xi32>
    %select_n3A = arith.select %le3A_72, %iota3A, %broadcast_in_dim3A_73 : vector<1024x1024xi1>, vector<1024x1024xi32>
    %reduce_min3A_74 = arith.constant dense<2147483647> : vector<1024xi32>
    %reduce_min3A_75 = vector.multi_reduction <minsi>, %select_n3A, %reduce_min3A_74 [1] : vector<1024x1024xi32> to vector<1024xi32>
    %broadcast_in_dim3A_76 = vector.shape_cast %reduce_min3A_75 : vector<1024xi32> to vector<1024x1xi32>
    %eq3A = vector.broadcast %broadcast_in_dim3A_76 : vector<1024x1xi32> to vector<1024x1024xi32>
    %eq3A_77 = arith.cmpi eq, %iota3A, %eq3A : vector<1024x1024xi32>
    %jit3A_78 = arith.constant 0x7F800000 : f32
    %broadcast_in_dim3A_79 = vector.broadcast %jit3A_78 : f32 to vector<1024x1024xf32>
    %select_n3A_80 = arith.select %eq3A_77, %broadcast_in_dim3A_79, %add3A_66 : vector<1024x1024xi1>, vector<1024x1024xf32>
    %reduce_min3A_81 = arith.constant dense<0x7F800000> : vector<1024xf32>
    %reduce_min3A_82 = vector.multi_reduction <minimumf>, %select_n3A_80, %reduce_min3A_81 [1] : vector<1024x1024xf32> to vector<1024xf32>
    %broadcast_in_dim3A_83 = vector.shape_cast %reduce_min3A_82 : vector<1024xf32> to vector<1024x1xf32>
    %le3A_84 = vector.broadcast %broadcast_in_dim3A_83 : vector<1024x1xf32> to vector<1024x1024xf32>
    %le3A_85 = arith.cmpf ole, %select_n3A_80, %le3A_84 : vector<1024x1024xf32>
    %jit3A_86 = arith.constant 1073741824 : i32
    %broadcast_in_dim3A_87 = vector.broadcast %jit3A_86 : i32 to vector<1024x1024xi32>
    %select_n3A_88 = arith.select %le3A_85, %iota3A, %broadcast_in_dim3A_87 : vector<1024x1024xi1>, vector<1024x1024xi32>
    %reduce_min3A_89 = arith.constant dense<2147483647> : vector<1024xi32>
    %reduce_min3A_90 = vector.multi_reduction <minsi>, %select_n3A_88, %reduce_min3A_89 [1] : vector<1024x1024xi32> to vector<1024xi32>
    %broadcast_in_dim3A_91 = vector.shape_cast %reduce_min3A_75 : vector<1024xi32> to vector<1024x1xi32>
    %eq3A_92 = vector.broadcast %broadcast_in_dim3A_91 : vector<1024x1xi32> to vector<1024x1024xi32>
    %eq3A_93 = arith.cmpi eq, %iota3A, %eq3A_92 : vector<1024x1024xi32>
    %convert_element_type3A_94 = arith.extui %eq3A_93 : vector<1024x1024xi1> to vector<1024x1024xi32>
    %convert_element_type3A_95 = arith.sitofp %convert_element_type3A_94 : vector<1024x1024xi32> to vector<1024x1024xf32>
    %broadcast_in_dim3A_96 = vector.shape_cast %reduce_min3A_90 : vector<1024xi32> to vector<1024x1xi32>
    %eq3A_97 = vector.broadcast %broadcast_in_dim3A_96 : vector<1024x1xi32> to vector<1024x1024xi32>
    %eq3A_98 = arith.cmpi eq, %iota3A, %eq3A_97 : vector<1024x1024xi32>
    %convert_element_type3A_99 = arith.extui %eq3A_98 : vector<1024x1024xi1> to vector<1024x1024xi32>
    %convert_element_type3A_100 = arith.sitofp %convert_element_type3A_99 : vector<1024x1024xi32> to vector<1024x1024xf32>
    %convert_element_type3A_101 = arith.truncf %sub3A_46 : vector<1024x64xf32> to vector<1024x64xbf16>
    %convert_element_type3A_102 = arith.extf %convert_element_type3A_101 : vector<1024x64xbf16> to vector<1024x64xf32>
    %sub3A_103 = arith.subf %sub3A_46, %convert_element_type3A_102 : vector<1024x64xf32>
    %dot_general3A_104 = arith.constant dense<0.000000e+00> : vector<1024x64xf32>
    %dot_general3A_105 = tpu.matmul %convert_element_type3A_95, %convert_element_type3A_45, %dot_general3A_104 {dimension_numbers = #tpu.dot_dimension_numbers<[1], [0], [0], [1], [0, 0, 1, 1], [], []>, transpose_lhs_hint = false} : vector<1024x1024xf32>, vector<1024x64xf32>, vector<1024x64xf32> -> vector<1024x64xf32>
    %dot_general3A_106 = arith.constant dense<0.000000e+00> : vector<1024x64xf32>
    %dot_general3A_107 = tpu.matmul %convert_element_type3A_95, %convert_element_type3A_102, %dot_general3A_106 {dimension_numbers = #tpu.dot_dimension_numbers<[1], [0], [0], [1], [0, 0, 1, 1], [], []>, transpose_lhs_hint = false} : vector<1024x1024xf32>, vector<1024x64xf32>, vector<1024x64xf32> -> vector<1024x64xf32>
    %add3A_108 = arith.addf %dot_general3A_105, %dot_general3A_107 : vector<1024x64xf32>
    %dot_general3A_109 = arith.constant dense<0.000000e+00> : vector<1024x64xf32>
    %dot_general3A_110 = tpu.matmul %convert_element_type3A_95, %sub3A_103, %dot_general3A_109 {dimension_numbers = #tpu.dot_dimension_numbers<[1], [0], [0], [1], [0, 0, 1, 1], [], []>, transpose_lhs_hint = false} : vector<1024x1024xf32>, vector<1024x64xf32>, vector<1024x64xf32> -> vector<1024x64xf32>
    %add3A_111 = arith.addf %add3A_108, %dot_general3A_110 : vector<1024x64xf32>
    %dot_general3A_112 = arith.constant dense<0.000000e+00> : vector<1024x64xf32>
    %dot_general3A_113 = tpu.matmul %convert_element_type3A_100, %convert_element_type3A_45, %dot_general3A_112 {dimension_numbers = #tpu.dot_dimension_numbers<[1], [0], [0], [1], [0, 0, 1, 1], [], []>, transpose_lhs_hint = false} : vector<1024x1024xf32>, vector<1024x64xf32>, vector<1024x64xf32> -> vector<1024x64xf32>
    %dot_general3A_114 = arith.constant dense<0.000000e+00> : vector<1024x64xf32>
    %dot_general3A_115 = tpu.matmul %convert_element_type3A_100, %convert_element_type3A_102, %dot_general3A_114 {dimension_numbers = #tpu.dot_dimension_numbers<[1], [0], [0], [1], [0, 0, 1, 1], [], []>, transpose_lhs_hint = false} : vector<1024x1024xf32>, vector<1024x64xf32>, vector<1024x64xf32> -> vector<1024x64xf32>
    %add3A_116 = arith.addf %dot_general3A_113, %dot_general3A_115 : vector<1024x64xf32>
    %dot_general3A_117 = arith.constant dense<0.000000e+00> : vector<1024x64xf32>
    %dot_general3A_118 = tpu.matmul %convert_element_type3A_100, %sub3A_103, %dot_general3A_117 {dimension_numbers = #tpu.dot_dimension_numbers<[1], [0], [0], [1], [0, 0, 1, 1], [], []>, transpose_lhs_hint = false} : vector<1024x1024xf32>, vector<1024x64xf32>, vector<1024x64xf32> -> vector<1024x64xf32>
    %add3A_119 = arith.addf %add3A_116, %dot_general3A_118 : vector<1024x64xf32>
    %sub3A_120 = arith.subf %max3A_24, %add3A_111 : vector<1024x64xf32>
    %integer_pow3A = arith.mulf %sub3A_120, %sub3A_120 : vector<1024x64xf32>
    %reduce_sum3A_121 = arith.constant dense<0.000000e+00> : vector<1024xf32>
    %reduce_sum3A_122 = vector.multi_reduction <add>, %integer_pow3A, %reduce_sum3A_121 [1] : vector<1024x64xf32> to vector<1024xf32>
    %sub3A_123 = arith.subf %max3A_24, %add3A_119 : vector<1024x64xf32>
    %integer_pow3A_124 = arith.mulf %sub3A_123, %sub3A_123 : vector<1024x64xf32>
    %reduce_sum3A_125 = arith.constant dense<0.000000e+00> : vector<1024xf32>
    %reduce_sum3A_126 = vector.multi_reduction <add>, %integer_pow3A_124, %reduce_sum3A_125 [1] : vector<1024x64xf32> to vector<1024xf32>
    %lt3A = arith.cmpf olt, %reduce_sum3A_126, %reduce_sum3A_122 : vector<1024xf32>
    %eq3A_127 = arith.cmpf oeq, %reduce_sum3A_126, %reduce_sum3A_122 : vector<1024xf32>
    %lt3A_128 = arith.cmpi slt, %reduce_min3A_90, %reduce_min3A_75 : vector<1024xi32>
    %and3A = arith.andi %eq3A_127, %lt3A_128 : vector<1024xi1>
    %or3A = arith.ori %lt3A, %and3A : vector<1024xi1>
    %select_n3A_129 = arith.select %or3A, %reduce_min3A_90, %reduce_min3A_75 : vector<1024xi1>, vector<1024xi32>
    %reshape3A_130 = vector.shape_cast %select_n3A_129 : vector<1024xi32> to vector<1x1x1024xi32>
    %swap3A_131 = arith.constant 0 : index
    %swap3A_132 = arith.constant 0 : index
    %swap3A_133 = arith.constant 0 : index
    %swap3A_134 = vector.load %arg17[%swap3A_131, %swap3A_132, %swap3A_133] : memref<1x1x1024xi32, #tpu.memory_space<vmem>>, vector<1x1x1024xi32>
    tpu.vector_store %arg17[%swap3A_131, %swap3A_132, %swap3A_133], %reshape3A_130 {strides = array<i32>} : memref<1x1x1024xi32, #tpu.memory_space<vmem>>, vector<1x1x1024xi32>,
    %broadcast_in_dim3A_135 = vector.shape_cast %or3A : vector<1024xi1> to vector<1024x1xi1>
    %broadcast_in_dim3A_136 = vector.shape_cast %broadcast_in_dim3A_135 : vector<1024x1xi1> to vector<1024x1xi1>
    %broadcast_in_dim3A_137 = vector.broadcast %broadcast_in_dim3A_136 : vector<1024x1xi1> to vector<1024x64xi1>
    %select_n3A_138 = arith.select %broadcast_in_dim3A_137, %add3A_119, %add3A_111 : vector<1024x64xi1>, vector<1024x64xf32>
    %swap3A_139 = arith.constant 0 : index
    %swap3A_140 = arith.constant 0 : index
    %swap3A_141 = vector.load %arg19[%swap3A_139, %swap3A_140] : memref<1024x64xf32, #tpu.memory_space<vmem>>, vector<1024x64xf32>
    tpu.vector_store %arg19[%swap3A_139, %swap3A_140], %select_n3A_138 {strides = array<i32>} : memref<1024x64xf32, #tpu.memory_space<vmem>>, vector<1024x64xf32>,
    %iota3A_142 = tpu.iota {dimensions = array<i32: 1>} : vector<1024x8xi32>
    %broadcast_in_dim3A_143 = vector.shape_cast %select_n3A_129 : vector<1024xi32> to vector<1024x1xi32>
    %and3A_144 = arith.constant 31 : i32
    %and3A_145 = vector.broadcast %and3A_144 : i32 to vector<1024x1xi32>
    %and3A_146 = arith.andi %broadcast_in_dim3A_143, %and3A_145 : vector<1024x1xi32>
    %eq3A_147 = arith.constant 1 : i32
    %eq3A_148 = vector.broadcast %eq3A_147 : i32 to vector<1024x8xi32>
    %eq3A_149 = arith.cmpi eq, %iota3A_142, %eq3A_148 : vector<1024x8xi32>
    %lt3A_150 = arith.constant 992 : i32
    %lt3A_151 = vector.broadcast %lt3A_150 : i32 to vector<1024x1xi32>
    %lt3A_152 = arith.cmpi slt, %broadcast_in_dim3A_143, %lt3A_151 : vector<1024x1xi32>
    %add3A_153 = arith.constant 32 : i32
    %add3A_154 = vector.broadcast %add3A_153 : i32 to vector<1024x1xi32>
    %add3A_155 = arith.addi %broadcast_in_dim3A_143, %add3A_154 : vector<1024x1xi32>
    %jit3A_156 = arith.constant 1024 : i32
    %broadcast_in_dim3A_157 = vector.broadcast %jit3A_156 : i32 to vector<1024x1xi32>
    %select_n3A_158 = arith.select %lt3A_152, %add3A_155, %broadcast_in_dim3A_157 : vector<1024x1xi1>, vector<1024x1xi32>
    %broadcast_in_dim3A_159 = vector.shape_cast %select_n3A_158 : vector<1024x1xi32> to vector<1024x1xi32>
    %broadcast_in_dim3A_160 = vector.broadcast %broadcast_in_dim3A_159 : vector<1024x1xi32> to vector<1024x8xi32>
    %broadcast_in_dim3A_161 = vector.shape_cast %broadcast_in_dim3A_143 : vector<1024x1xi32> to vector<1024x1xi32>
    %broadcast_in_dim3A_162 = vector.broadcast %broadcast_in_dim3A_161 : vector<1024x1xi32> to vector<1024x8xi32>
    %select_n3A_163 = arith.select %eq3A_149, %broadcast_in_dim3A_160, %broadcast_in_dim3A_162 : vector<1024x8xi1>, vector<1024x8xi32>
    %eq3A_164 = arith.constant 2 : i32
    %eq3A_165 = vector.broadcast %eq3A_164 : i32 to vector<1024x8xi32>
    %eq3A_166 = arith.cmpi eq, %iota3A_142, %eq3A_165 : vector<1024x8xi32>
    %ge3A = arith.constant 32 : i32
    %ge3A_167 = vector.broadcast %ge3A : i32 to vector<1024x1xi32>
    %ge3A_168 = arith.cmpi sge, %broadcast_in_dim3A_143, %ge3A_167 : vector<1024x1xi32>
    %sub3A_169 = arith.constant 32 : i32
    %sub3A_170 = vector.broadcast %sub3A_169 : i32 to vector<1024x1xi32>
    %sub3A_171 = arith.subi %broadcast_in_dim3A_143, %sub3A_170 : vector<1024x1xi32>
    %jit3A_172 = arith.constant 1024 : i32
    %broadcast_in_dim3A_173 = vector.broadcast %jit3A_172 : i32 to vector<1024x1xi32>
    %select_n3A_174 = arith.select %ge3A_168, %sub3A_171, %broadcast_in_dim3A_173 : vector<1024x1xi1>, vector<1024x1xi32>
    %broadcast_in_dim3A_175 = vector.shape_cast %select_n3A_174 : vector<1024x1xi32> to vector<1024x1xi32>
    %broadcast_in_dim3A_176 = vector.broadcast %broadcast_in_dim3A_175 : vector<1024x1xi32> to vector<1024x8xi32>
    %select_n3A_177 = arith.select %eq3A_166, %broadcast_in_dim3A_176, %select_n3A_163 : vector<1024x8xi1>, vector<1024x8xi32>
    %eq3A_178 = arith.constant 3 : i32
    %eq3A_179 = vector.broadcast %eq3A_178 : i32 to vector<1024x8xi32>
    %eq3A_180 = arith.cmpi eq, %iota3A_142, %eq3A_179 : vector<1024x8xi32>
    %lt3A_181 = arith.constant 31 : i32
    %lt3A_182 = vector.broadcast %lt3A_181 : i32 to vector<1024x1xi32>
    %lt3A_183 = arith.cmpi slt, %and3A_146, %lt3A_182 : vector<1024x1xi32>
    %add3A_184 = arith.constant 1 : i32
    %add3A_185 = vector.broadcast %add3A_184 : i32 to vector<1024x1xi32>
    %add3A_186 = arith.addi %broadcast_in_dim3A_143, %add3A_185 : vector<1024x1xi32>
    %jit3A_187 = arith.constant 1024 : i32
    %broadcast_in_dim3A_188 = vector.broadcast %jit3A_187 : i32 to vector<1024x1xi32>
    %select_n3A_189 = arith.select %lt3A_183, %add3A_186, %broadcast_in_dim3A_188 : vector<1024x1xi1>, vector<1024x1xi32>
    %broadcast_in_dim3A_190 = vector.shape_cast %select_n3A_189 : vector<1024x1xi32> to vector<1024x1xi32>
    %broadcast_in_dim3A_191 = vector.broadcast %broadcast_in_dim3A_190 : vector<1024x1xi32> to vector<1024x8xi32>
    %select_n3A_192 = arith.select %eq3A_180, %broadcast_in_dim3A_191, %select_n3A_177 : vector<1024x8xi1>, vector<1024x8xi32>
    %eq3A_193 = arith.constant 4 : i32
    %eq3A_194 = vector.broadcast %eq3A_193 : i32 to vector<1024x8xi32>
    %eq3A_195 = arith.cmpi eq, %iota3A_142, %eq3A_194 : vector<1024x8xi32>
    %gt3A = arith.constant 0 : i32
    %gt3A_196 = vector.broadcast %gt3A : i32 to vector<1024x1xi32>
    %gt3A_197 = arith.cmpi sgt, %and3A_146, %gt3A_196 : vector<1024x1xi32>
    %sub3A_198 = arith.constant 1 : i32
    %sub3A_199 = vector.broadcast %sub3A_198 : i32 to vector<1024x1xi32>
    %sub3A_200 = arith.subi %broadcast_in_dim3A_143, %sub3A_199 : vector<1024x1xi32>
    %jit3A_201 = arith.constant 1024 : i32
    %broadcast_in_dim3A_202 = vector.broadcast %jit3A_201 : i32 to vector<1024x1xi32>
    %select_n3A_203 = arith.select %gt3A_197, %sub3A_200, %broadcast_in_dim3A_202 : vector<1024x1xi1>, vector<1024x1xi32>
    %broadcast_in_dim3A_204 = vector.shape_cast %select_n3A_203 : vector<1024x1xi32> to vector<1024x1xi32>
    %broadcast_in_dim3A_205 = vector.broadcast %broadcast_in_dim3A_204 : vector<1024x1xi32> to vector<1024x8xi32>
    %select_n3A_206 = arith.select %eq3A_195, %broadcast_in_dim3A_205, %select_n3A_192 : vector<1024x8xi1>, vector<1024x8xi32>
    %ge3A_207 = arith.constant 5 : i32
    %ge3A_208 = vector.broadcast %ge3A_207 : i32 to vector<1024x8xi32>
    %ge3A_209 = arith.cmpi sge, %iota3A_142, %ge3A_208 : vector<1024x8xi32>
    %jit3A_210 = arith.constant 1024 : i32
    %broadcast_in_dim3A_211 = vector.broadcast %jit3A_210 : i32 to vector<1024x8xi32>
    %select_n3A_212 = arith.select %ge3A_209, %broadcast_in_dim3A_211, %select_n3A_206 : vector<1024x8xi1>, vector<1024x8xi32>
    %swap3A_213 = arith.constant 0 : index
    %swap3A_214 = arith.constant 0 : index
    %swap3A_215 = vector.load %arg18[%swap3A_213, %swap3A_214] : memref<1024x8xi32, #tpu.memory_space<vmem>>, vector<1024x8xi32>
    tpu.vector_store %arg18[%swap3A_213, %swap3A_214], %select_n3A_212 {strides = array<i32>} : memref<1024x8xi32, #tpu.memory_space<vmem>>, vector<1024x8xi32>,
    %get3A_216 = arith.constant 0 : index
    %get3A_217 = arith.constant 0 : index
    %get3A_218 = vector.load %arg7[%get3A_216, %get3A_217] : memref<64x256xf32, #tpu.memory_space<vmem>>, vector<64x256xf32>
    %dot_general3A_219 = arith.constant dense<0.000000e+00> : vector<1024x256xf32>
    %dot_general3A_220 = tpu.matmul %select_n3A_138, %get3A_218, %dot_general3A_219 {dimension_numbers = #tpu.dot_dimension_numbers<[1], [0], [0], [1], [0, 0, 1, 1], [], []>, transpose_lhs_hint = false} : vector<1024x64xf32>, vector<64x256xf32>, vector<1024x256xf32> -> vector<1024x256xf32>
    %get3A_221 = arith.constant 0 : index
    %get3A_222 = arith.constant 0 : index
    %get3A_223 = vector.load %arg8[%get3A_221, %get3A_222] : memref<1x256xf32, #tpu.memory_space<vmem>>, vector<1x256xf32>
    %add3A_224 = vector.broadcast %get3A_223 : vector<1x256xf32> to vector<1024x256xf32>
    %add3A_225 = arith.addf %dot_general3A_220, %add3A_224 : vector<1024x256xf32>
    %max3A_226 = arith.constant 0.000000e+00 : f32
    %max3A_227 = vector.broadcast %max3A_226 : f32 to vector<1024x256xf32>
    %max3A_228 = arith.maximumf %add3A_225, %max3A_227 : vector<1024x256xf32>
    %get3A_229 = arith.constant 0 : index
    %get3A_230 = arith.constant 0 : index
    %get3A_231 = vector.load %arg9[%get3A_229, %get3A_230] : memref<256x512xf32, #tpu.memory_space<vmem>>, vector<256x512xf32>
    %dot_general3A_232 = arith.constant dense<0.000000e+00> : vector<1024x512xf32>
    %dot_general3A_233 = tpu.matmul %max3A_228, %get3A_231, %dot_general3A_232 {dimension_numbers = #tpu.dot_dimension_numbers<[1], [0], [0], [1], [0, 0, 1, 1], [], []>, transpose_lhs_hint = false} : vector<1024x256xf32>, vector<256x512xf32>, vector<1024x512xf32> -> vector<1024x512xf32>
    %get3A_234 = arith.constant 0 : index
    %get3A_235 = arith.constant 0 : index
    %get3A_236 = vector.load %arg10[%get3A_234, %get3A_235] : memref<1x512xf32, #tpu.memory_space<vmem>>, vector<1x512xf32>
    %add3A_237 = vector.broadcast %get3A_236 : vector<1x512xf32> to vector<1024x512xf32>
    %add3A_238 = arith.addf %dot_general3A_233, %add3A_237 : vector<1024x512xf32>
    %neg3A = arith.constant 0.000000e+00 : f32
    %neg3A_239 = vector.broadcast %neg3A : f32 to vector<1024x512xf32>
    %neg3A_240 = arith.subf %neg3A_239, %add3A_238 : vector<1024x512xf32>
    %exp3A = math.exp %neg3A_240 : vector<1024x512xf32>
    %add3A_241 = arith.constant 1.000000e+00 : f32
    %add3A_242 = vector.broadcast %add3A_241 : f32 to vector<1024x512xf32>
    %add3A_243 = arith.addf %add3A_242, %exp3A : vector<1024x512xf32>
    %div3A = arith.constant 1.000000e+00 : f32
    %div3A_244 = vector.broadcast %div3A : f32 to vector<1024x512xf32>
    %div3A_245 = arith.divf %div3A_244, %add3A_243 : vector<1024x512xf32>
    %swap3A_246 = arith.constant 0 : index
    %swap3A_247 = arith.constant 0 : index
    %swap3A_248 = vector.load %arg20[%swap3A_246, %swap3A_247] : memref<1024x512xf32, #tpu.memory_space<vmem>>, vector<1024x512xf32>
    tpu.vector_store %arg20[%swap3A_246, %swap3A_247], %div3A_245 {strides = array<i32>} : memref<1024x512xf32, #tpu.memory_space<vmem>>, vector<1024x512xf32>,
    %get3A_249 = arith.constant 0 : index
    %get3A_250 = arith.constant 0 : index
    %get3A_251 = vector.load %arg11[%get3A_249, %get3A_250] : memref<64x256xf32, #tpu.memory_space<vmem>>, vector<64x256xf32>
    %dot_general3A_252 = arith.constant dense<0.000000e+00> : vector<1024x256xf32>
    %dot_general3A_253 = tpu.matmul %max3A_24, %get3A_251, %dot_general3A_252 {dimension_numbers = #tpu.dot_dimension_numbers<[1], [0], [0], [1], [0, 0, 1, 1], [], []>, transpose_lhs_hint = false} : vector<1024x64xf32>, vector<64x256xf32>, vector<1024x256xf32> -> vector<1024x256xf32>
    %get3A_254 = arith.constant 0 : index
    %get3A_255 = arith.constant 0 : index
    %get3A_256 = vector.load %arg12[%get3A_254, %get3A_255] : memref<1x256xf32, #tpu.memory_space<vmem>>, vector<1x256xf32>
    %add3A_257 = vector.broadcast %get3A_256 : vector<1x256xf32> to vector<1024x256xf32>
    %add3A_258 = arith.addf %dot_general3A_253, %add3A_257 : vector<1024x256xf32>
    %max3A_259 = arith.constant 0.000000e+00 : f32
    %max3A_260 = vector.broadcast %max3A_259 : f32 to vector<1024x256xf32>
    %max3A_261 = arith.maximumf %add3A_258, %max3A_260 : vector<1024x256xf32>
    %get3A_262 = arith.constant 0 : index
    %get3A_263 = arith.constant 0 : index
    %get3A_264 = vector.load %arg13[%get3A_262, %get3A_263] : memref<256x512xf32, #tpu.memory_space<vmem>>, vector<256x512xf32>
    %dot_general3A_265 = arith.constant dense<0.000000e+00> : vector<1024x512xf32>
    %dot_general3A_266 = tpu.matmul %max3A_261, %get3A_264, %dot_general3A_265 {dimension_numbers = #tpu.dot_dimension_numbers<[1], [0], [0], [1], [0, 0, 1, 1], [], []>, transpose_lhs_hint = false} : vector<1024x256xf32>, vector<256x512xf32>, vector<1024x512xf32> -> vector<1024x512xf32>
    %get3A_267 = arith.constant 0 : index
    %get3A_268 = arith.constant 0 : index
    %get3A_269 = vector.load %arg14[%get3A_267, %get3A_268] : memref<1x512xf32, #tpu.memory_space<vmem>>, vector<1x512xf32>
    %add3A_270 = vector.broadcast %get3A_269 : vector<1x512xf32> to vector<1024x512xf32>
    %add3A_271 = arith.addf %dot_general3A_266, %add3A_270 : vector<1024x512xf32>
    %neg3A_272 = arith.constant 0.000000e+00 : f32
    %neg3A_273 = vector.broadcast %neg3A_272 : f32 to vector<1024x512xf32>
    %neg3A_274 = arith.subf %neg3A_273, %add3A_271 : vector<1024x512xf32>
    %exp3A_275 = math.exp %neg3A_274 : vector<1024x512xf32>
    %add3A_276 = arith.constant 1.000000e+00 : f32
    %add3A_277 = vector.broadcast %add3A_276 : f32 to vector<1024x512xf32>
    %add3A_278 = arith.addf %add3A_277, %exp3A_275 : vector<1024x512xf32>
    %div3A_279 = arith.constant 1.000000e+00 : f32
    %div3A_280 = vector.broadcast %div3A_279 : f32 to vector<1024x512xf32>
    %div3A_281 = arith.divf %div3A_280, %add3A_278 : vector<1024x512xf32>
    %swap3A_282 = arith.constant 0 : index
    %swap3A_283 = arith.constant 0 : index
    %swap3A_284 = vector.load %arg21[%swap3A_282, %swap3A_283] : memref<1024x512xf32, #tpu.memory_space<vmem>>, vector<1024x512xf32>
    tpu.vector_store %arg21[%swap3A_282, %swap3A_283], %div3A_281 {strides = array<i32>} : memref<1024x512xf32, #tpu.memory_space<vmem>>, vector<1024x512xf32>,
    return
  }
  func.func @transform_0(%arg0: i32) -> (i32, i32) {
    %c0_i32 = arith.constant 0 : i32
    %c0_i32_0 = arith.constant 0 : i32
    return %arg0, %c0_i32 : i32, i32
  }
  func.func @transform_1(%arg0: i32) -> (i32, i32) {
    %c0_i32 = arith.constant 0 : i32
    %c0_i32_0 = arith.constant 0 : i32
    %c0_i32_1 = arith.constant 0 : i32
    return %c0_i32, %c0_i32_0 : i32, i32
  }
  func.func @transform_2(%arg0: i32) -> (i32, i32) {
    %c0_i32 = arith.constant 0 : i32
    %c0_i32_0 = arith.constant 0 : i32
    %c0_i32_1 = arith.constant 0 : i32
    return %c0_i32, %c0_i32_0 : i32, i32
  }
  func.func @transform_3(%arg0: i32) -> (i32, i32) {
    %c0_i32 = arith.constant 0 : i32
    %c0_i32_0 = arith.constant 0 : i32
    %c0_i32_1 = arith.constant 0 : i32
    return %c0_i32, %c0_i32_0 : i32, i32
  }
  func.func @transform_4(%arg0: i32) -> (i32, i32) {
    %c0_i32 = arith.constant 0 : i32
    %c0_i32_0 = arith.constant 0 : i32
    %c0_i32_1 = arith.constant 0 : i32
    return %c0_i32, %c0_i32_0 : i32, i32
  }
  func.func @transform_5(%arg0: i32) -> (i32, i32) {
    %c0_i32 = arith.constant 0 : i32
    %c0_i32_0 = arith.constant 0 : i32
    %c0_i32_1 = arith.constant 0 : i32
    return %c0_i32, %c0_i32_0 : i32, i32
  }
  func.func @transform_6(%arg0: i32) -> (i32, i32) {
    %c0_i32 = arith.constant 0 : i32
    %c0_i32_0 = arith.constant 0 : i32
    %c0_i32_1 = arith.constant 0 : i32
    return %c0_i32, %c0_i32_0 : i32, i32
  }
  func.func @transform_7(%arg0: i32) -> (i32, i32) {
    %c0_i32 = arith.constant 0 : i32
    %c0_i32_0 = arith.constant 0 : i32
    %c0_i32_1 = arith.constant 0 : i32
    return %c0_i32, %c0_i32_0 : i32, i32
  }
  func.func @transform_8(%arg0: i32) -> (i32, i32) {
    %c0_i32 = arith.constant 0 : i32
    %c0_i32_0 = arith.constant 0 : i32
    %c0_i32_1 = arith.constant 0 : i32
    return %c0_i32, %c0_i32_0 : i32, i32
  }
  func.func @transform_9(%arg0: i32) -> (i32, i32) {
    %c0_i32 = arith.constant 0 : i32
    %c0_i32_0 = arith.constant 0 : i32
    %c0_i32_1 = arith.constant 0 : i32
    return %c0_i32, %c0_i32_0 : i32, i32
  }
  func.func @transform_10(%arg0: i32) -> (i32, i32) {
    %c0_i32 = arith.constant 0 : i32
    %c0_i32_0 = arith.constant 0 : i32
    %c0_i32_1 = arith.constant 0 : i32
    return %c0_i32, %c0_i32_0 : i32, i32
  }
  func.func @transform_11(%arg0: i32) -> (i32, i32) {
    %c0_i32 = arith.constant 0 : i32
    %c0_i32_0 = arith.constant 0 : i32
    %c0_i32_1 = arith.constant 0 : i32
    return %c0_i32, %c0_i32_0 : i32, i32
  }
  func.func @transform_12(%arg0: i32) -> (i32, i32) {
    %c0_i32 = arith.constant 0 : i32
    %c0_i32_0 = arith.constant 0 : i32
    %c0_i32_1 = arith.constant 0 : i32
    return %c0_i32, %c0_i32_0 : i32, i32
  }
  func.func @transform_13(%arg0: i32) -> (i32, i32) {
    %c0_i32 = arith.constant 0 : i32
    %c0_i32_0 = arith.constant 0 : i32
    %c0_i32_1 = arith.constant 0 : i32
    return %c0_i32, %c0_i32_0 : i32, i32
  }
  func.func @transform_14(%arg0: i32) -> (i32, i32) {
    %c0_i32 = arith.constant 0 : i32
    %c0_i32_0 = arith.constant 0 : i32
    return %c0_i32, %arg0 : i32, i32
  }
  func.func @transform_15(%arg0: i32) -> (i32, i32) {
    %c0_i32 = arith.constant 0 : i32
    %c0_i32_0 = arith.constant 0 : i32
    return %arg0, %c0_i32 : i32, i32
  }
  func.func @transform_16(%arg0: i32) -> (i32, i32, i32) {
    %c0_i32 = arith.constant 0 : i32
    %c0_i32_0 = arith.constant 0 : i32
    %c0_i32_1 = arith.constant 0 : i32
    return %arg0, %c0_i32, %c0_i32_0 : i32, i32, i32
  }
  func.func @transform_17(%arg0: i32) -> (i32, i32) {
    %c0_i32 = arith.constant 0 : i32
    %c0_i32_0 = arith.constant 0 : i32
    return %arg0, %c0_i32 : i32, i32
  }
  func.func @transform_18(%arg0: i32) -> (i32, i32) {
    %c0_i32 = arith.constant 0 : i32
    %c0_i32_0 = arith.constant 0 : i32
    return %arg0, %c0_i32 : i32, i32
  }
  func.func @transform_19(%arg0: i32) -> (i32, i32) {
    %c0_i32 = arith.constant 0 : i32
    %c0_i32_0 = arith.constant 0 : i32
    return %arg0, %c0_i32 : i32, i32
  }
  func.func @transform_20(%arg0: i32) -> (i32, i32) {
    %c0_i32 = arith.constant 0 : i32
    %c0_i32_0 = arith.constant 0 : i32
    return %arg0, %c0_i32 : i32, i32
  }
}

</mosaic_0001>

<sc_bundles>
// kernel: kernel.4.cloned.1.call-start
scs
__scs_entry_jumppad:
0x0: {  	(pc) =	sbr.rel $0x88, $3  }
0x1: {  	(tag) =	ssettag $0x0;
	lr =	simm.s32 $0x1  }
0x2: {  	[smem:$0x3F93] =	sst lr;
	_ =	strace $0xD0000000  }
0x3: {  	_ = 	snop  }
0x4: {  	_ = 	snop  }
0x5: {  	_ = 	snop  }
0x6: {  	_ = 	snop  }
0x7: {  	_ = 	snop  }
__scs_overlays_trampoline_lowered:
0x8: {  	[smem:$0x3FA2] =	sst s0  }
0x9: {  	[smem:$0x3FA3] =	sst s1  }
0xa: {  	[smem:$0x3FA4] =	sst s2  }
0xb: {  	[smem:$0x3FA5] =	sst s3  }
0xc: {  	[smem:$0x3FA6] =	sst s4  }
0xd: {  	[smem:$0x3FA7] =	sst s5  }
0xe: {  	[smem:$0x3FA8] =	sst s6  }
0xf: {  	[smem:$0x3FA9] =	sst s7  }
0x10: {  	[smem:$0x3FAA] =	sst s8  }
0x11: {  	[smem:$0x3FAB] =	sst s9;
	s0 =	simm.s32 @!p0 $0x0  }
0x12: {  	s1 =	sld [smem:$0x3F91];
	s0 =	simm.s32 @p0 $0x1  }
0x13: {  	[smem:$0x3FAC] =	sst s0;
	s0 =	simm.s32 @!p1 $0x0  }
0x14: {  	s2 =	sld [smem:$0x3F90];
	s0 =	simm.s32 @p1 $0x1  }
0x15: {  	[smem:$0x3FAD] =	sst s0;
	s0 =	simm.s32 @!p2 $0x0  }
0x16: {  	s3 =	sld [smem:$0x3FDB];
	s0 =	simm.s32 @p2 $0x1  }
0x17: {  	s4 =	simm.s32 $0x1BF5;
	[smem:$0x3FAF] =	sst s0  }
0x18: {  	s0 =	sld [smem:$0x3F92];
	_ =	swait.ge [sflag:s4], $0x0  }
0x19: {  	s7 =	sld [smem:$0x3F93]  }
0x1a: {  	s8 =	sadd.s32 $0xFFFFE003, lr  }
0x1b: {  	s9 =	sadd.s32 $0xFFFFFEF7, lr;
	s5 =	simm.s32 $0xFFFFFFFF;
	p2 =	slt.u32 s8, $0xFFFFF086  }
0x1c: {  	p1 =	slt.u32 s9, $0xF7A;
	s5 =	simm.s32 @!p2 $0x0  }
0x1d: {  	s5 =	simm.s32 @p1 $0x1;
	p0 =	seq.s32 s7, s2  }
0x1e: {  	s7 =	smul.u32 @!p0 $0xF7A, s2;
	p2 =	seq.s32 @!p0 s5, $0x0  }
0x1f: {  	s9 =	smul.u32 $0xF7A, s1;
	s8 =	simm.s32 @!p0 $0x1BF5;
	p2 =	por !p2, p0  }
0x20: {  	[sflag:s8] =	ssyncset.s32 @!p0 $0xFFFFF086;
	s6 =	sadd.s32 @!p0 s3, s7;
	s7 =	simm.s32 @!p0 $0x108  }
0x21: {  	s3 =	sadd.s32 s3, s9;
	s6 =	sadd.s32 @!p0 $0x88, s6;
	s7 =	simm.s32 @p2 $0x1082  }
0x22: {  	[simem:s7], [sflag:s8] =	dma.local @!p0 [hbm:s6], $0xF7A  }
0x23: {  	s9 =	sor.u32 $0xD0000000, s2;
	s6 =	simm.s32 $0x108;
	_ =	swait.ge @!p0 [sflag:s8], $0x0  }
0x24: {  	s3 =	sadd.s32 $0x88, s3;
	s6 =	simm.s32 @!p1 $0x1082;
	[sflag:s4] =	ssyncset.s32 $0xFFFFF086  }
0x25: {  	[simem:s6], [sflag:s4] =	dma.local [hbm:s3], $0xF7A  }
0x26: {  	[smem:$0x3F93] =	sst s1;
	(tag) =	ssettag s2;
	_ =	strace s9  }
0x27: {  	s1 =	sld [smem:$0x3FA3]  }
0x28: {  	s2 =	sld [smem:$0x3FA4]  }
0x29: {  	s4 =	sld [smem:$0x3FA6]  }
0x2a: {  	p0 =	seq.s32 s5, $0x0;
	s5 =	sld [smem:$0x3FA7]  }
0x2b: {  	s6 =	sld [smem:$0x3FA8]  }
0x2c: {  	s7 =	sld [smem:$0x3FA9]  }
0x2d: {  	s3 =	simm.s32 $0x108;
	s8 =	sld [smem:$0x3FAA]  }
0x2e: {  	s3 =	simm.s32 @!p0 $0x1082;
	s9 =	sld [smem:$0x3FAB]  }
0x2f: {  	lr =	sadd.s32 s0, s3;
	s0 =	sld [smem:$0x3FA2]  }
0x30: {  	s3 =	sld [smem:$0x3FA5]  }
0x31: {  	[smem:$0x3FAE] =	sst s10  }
0x32: {  	s10 =	sld [smem:$0x3FAC];
	_ =	sdelay $0x3  }
0x33: {  	p0 =	seq.s32 s10, $0x1;
	s10 =	sld [smem:$0x3FAE];
	_ =	sdelay $0x3  }
0x34: {  	[smem:$0x3FAE] =	sst s10  }
0x35: {  	s10 =	sld [smem:$0x3FAD];
	_ =	sdelay $0x3  }
0x36: {  	p1 =	seq.s32 s10, $0x1;
	s10 =	sld [smem:$0x3FAE];
	_ =	sdelay $0x3  }
0x37: {  	[smem:$0x3FAE] =	sst s10  }
0x38: {  	s10 =	sld [smem:$0x3FAF]  }
0x39: {  	_ = 	snop;
	(pc) =	sbr.ind lr, $3  }
0x3a: {  	_ = 	snop  }
0x3b: {  	_ = 	snop  }
0x3c: {  	p2 =	seq.s32 s10, $0x1;
	s10 =	sld [smem:$0x3FAE]  }
0x3d: {  	_ =	shalt  }
0x3e: {  	_ =	shalt  }
0x3f: {  	_ =	shalt  }
0x40: {  	_ =	shalt  }
0x41: {  	_ =	shalt  }
0x42: {  	_ =	shalt  }
0x43: {  	_ =	shalt  }
0x44: {  	_ =	shalt  }
0x45: {  	_ =	shalt  }
0x46: {  	_ =	shalt  }
0x47: {  	_ =	shalt  }
0x48: {  	_ =	shalt  }
0x49: {  	_ =	shalt  }
0x4a: {  	_ =	shalt  }
0x4b: {  	_ =	shalt  }
0x4c: {  	_ =	shalt  }
0x4d: {  	_ =	shalt  }
0x4e: {  	_ =	shalt  }
0x4f: {  	_ =	shalt  }
0x50: {  	_ =	shalt  }
0x51: {  	_ =	shalt  }
0x52: {  	_ =	shalt  }
0x53: {  	_ =	shalt  }
0x54: {  	_ =	shalt  }
0x55: {  	_ =	shalt  }
0x56: {  	_ =	shalt  }
0x57: {  	_ =	shalt  }
0x58: {  	_ =	shalt  }
0x59: {  	_ =	shalt  }
0x5a: {  	_ =	shalt  }
0x5b: {  	_ =	shalt  }
0x5c: {  	_ =	shalt  }
0x5d: {  	_ =	shalt  }
0x5e: {  	_ =	shalt  }
0x5f: {  	_ =	shalt  }
0x60: {  	_ =	shalt  }
0x61: {  	_ =	shalt  }
0x62: {  	_ =	shalt  }
0x63: {  	_ =	shalt  }
0x64: {  	_ =	shalt  }
0x65: {  	_ =	shalt  }
0x66: {  	_ =	shalt  }
0x67: {  	_ =	shalt  }
0x68: {  	_ =	shalt  }
0x69: {  	_ =	shalt  }
0x6a: {  	_ =	shalt  }
0x6b: {  	_ =	shalt  }
0x6c: {  	_ =	shalt  }
0x6d: {  	_ =	shalt  }
0x6e: {  	_ =	shalt  }
0x6f: {  	_ =	shalt  }
0x70: {  	_ =	shalt  }
0x71: {  	_ =	shalt  }
0x72: {  	_ =	shalt  }
0x73: {  	_ =	shalt  }
0x74: {  	_ =	shalt  }
0x75: {  	_ =	shalt  }
0x76: {  	_ =	shalt  }
0x77: {  	_ =	shalt  }
0x78: {  	_ =	shalt  }
0x79: {  	_ =	shalt  }
0x7a: {  	_ =	shalt  }
0x7b: {  	_ =	shalt  }
0x7c: {  	_ =	shalt  }
0x7d: {  	_ =	shalt  }
0x7e: {  	_ =	shalt  }
0x7f: {  	_ =	shalt  }
0x80: {  	_ =	shalt  }
0x81: {  	_ =	shalt  }
0x82: {  	_ =	shalt  }
0x83: {  	_ =	shalt  }
0x84: {  	_ =	shalt  }
0x85: {  	_ =	shalt  }
0x86: {  	_ =	shalt  }
0x87: {  	_ =	shalt  }
.Lfunc_end0:
.L_simem_size_0:
called_computation_lowered:
.L_overlay_start_0:
0x88: {  	s0 =	sld [smem:$0x3FD9]  }
0x89: {  	s1 =	sld [smem:$0x3FFE];
	_ =	sdelay $0x3  }
0x8a: {  	s0 =	sadd.s32 s1, s0  }
0x8b: {  	[smem:$0x3FBA] =	sst s0  }
0x8c: {  	_ = 	snop  }
0x8d: {  	s0 =	sld [smem:$0x3FD0];
	_ =	sdelay $0x2  }
0x8e: {  	s13 =	simm.s32 $0xA;
	s2 =	simm.s32 $0x10  }
0x8f: {  	[smem:s2], [sflag:s13] =	dma.local [hbm:s0], $0x1  }
0x90: {  	_ =	swait.eq [sflag:s13], $0x1  }
0x91: {  	[sflag:s13] =	ssyncset.done $0x0  }
0x92: {  	[sflag:s13] =	ssyncadd.s32 $0xFFFFFFFF  }
0x93: {  	s14 =	sld [smem:$0x16];
	(tm) =	ssettm $0x1  }
0x94: {  	s15 =	sld [smem:$0x3FFB];
	_ =	sdelay $0x3  }
0x95: {  	_ =	strace s15  }
0x96: {  	s1 =	sld [smem:$0x3FFC];
	_ =	sdelay $0x3  }
0x97: {  	_ =	strace s1  }
0x98: {  	s1 =	sld [smem:$0x3FFD];
	_ =	sdelay $0x3  }
0x99: {  	_ =	strace s1  }
0x9a: {  	_ =	strace $0x8FFFFFFF  }
0x9b: {  	s16 =	sld [smem:$0x3FDB];
	_ =	sdelay $0x1  }
0x9c: {  	s17 =	simm.s32 $_scs_section_size  }
0x9d: {  	s3 =	simm.s32 $_size__tile_overlayer_lowered;
	s4 =	simm.s32 $_tile_overlayer_lowered  }
0x9e: {  	s20 =	simm.s32 $0x1BFF;
	s19 =	sshll.u32 s4, $0x1;
	s1 =	sadd.s32 s17, s16  }
0x9f: {  	s5 =	simm.s32 $0x0;
	s18 =	sshll.u32 s3, $0x1;
	s3 =	sadd.s32 s19, s1  }
0xa0: {  	[timem:s5], [sflag:s20] =	dma.local [hbm:s3], s18  }
0xa1: {  	_ =	swait.ge [sflag:s20], s18  }
0xa2: {  	s2 =	ssub.s32 $0x0, s18;
	[sflag:s20] =	ssyncset.done $0x0  }
0xa3: {  	[sflag:s20] =	ssyncadd.s32 s2;
	_ =	sdelay $0x1  }
0xa4: {  	s21 =	simm.s32 $0x1B8B  }
0xa5: {  	_ =	swait.ge [sflag:s21], $0x1  }
0xa6: {  	[sflag:s21] =	ssyncset.done $0x0  }
0xa7: {  	s23 =	simm.s32 $0x1B8E;
	s22 =	sld [smem:$0x3FFE];
	[sflag:s21] =	ssyncadd.s32 $0xFFFFFFFF  }
0xa8: {  	s24 =	simm.s32 $execute0_lowered;
	[smem:$0x3FD2] =	sst s23  }
0xa9: {  	s3 =	sshll.u32 s24, $0x1;
	_ =	strace $0x80000046;
	[dreg:$0x1] =	wrdreg $0xFFFFFFFF  }
0xaa: {  	s25 =	simm.s32 $_size_execute0_lowered;
	s1 =	sadd.s32 s1, s3;
	[dreg:$0x0] =	wrdreg $0x0  }
0xab: {  	s3 =	sshll.u32 s25, $0x1;
	[dreg:$0x2] =	wrdreg s1  }
0xac: {  	[dreg:$0x3] =	wrdreg s3  }
0xad: {  	[dreg:$0x4] =	wrdreg $0xC0  }
0xae: {  	_ =	task [dreg:s5], $0x5FFFF  }
0xaf: {  	[dreg:$0x1] =	wrdreg $0xFFFFFFFF  }
0xb0: {  	[dreg:$0x0] =	wrdreg $0x60  }
0xb1: {  	[dreg:$0x2] =	wrdreg s22  }
0xb2: {  	[dreg:$0x3] =	wrdreg s14  }
0xb3: {  	[dreg:$0x4] =	wrdreg $0x9  }
0xb4: {  	_ =	task.clear_ibuf [dreg:s5], $0x5FFFF;
	_ =	strace $0x90000046  }
0xb5: {  	s26 =	simm.s32 $0x9;
	_ =	strace $0x80000048  }
0xb6: {  	_ =	swait.ge [sflag:s26], $0x1  }
0xb7: {  	[sflag:s26] =	ssyncadd.s32 $0xFFFFFFFF  }
0xb8: {  	_ =	strace $0x90000048  }
0xb9: {  	_ =	sfence  }
0xba: {  	s28 =	sld [smem:$0x0];
	_ =	sdelay $0x1  }
0xbb: {  	s29 =	srdreg.scid  }
0xbc: {  	s30 =	sshll.u32 s29, $0xD;
	s31 =	sshrl.u32 s29, $0x2  }
0xbd: {  	s2 =	sand.u32 $0x4000, s30;
	s1 =	sand.u32 $0x1, s29;
	s0 =	sadd.s32 s31, s28  }
0xbe: {  	s1 =	sor.u32 s2, s1;
	s0 =	sshll.u32 s0, $0x11  }
0xbf: {  	s0 =	sor.u32 s0, s1  }
0xc0: {  	s0 =	sadd.s32 $0x8F2B, s0  }
0xc1: {  	[sflag:s0] =	ssyncadd.remote.s32 $0x1  }
0xc2: {  	_ =	sfence.sel $0xFFFF  }
0xc3: {  	[dreg:$0x0] =	wrdreg $0xFFFFFFFF;
	(pc) =	sbr.abs _section_cstart, $3  }
0xc4: {  	[dreg:$0x1] =	wrdreg $0xFFFFFFFF  }
0xc5: {  	_ =	task.clear_ibuf [dreg:s5], $0x2FFFF;
	_ =	strace $0x9FFFFFFF  }
0xc6: {  	(tm) =	ssettm $0x7FFFFFFF  }
0xc7: {  	_ =	shalt  }
tec
execute0_lowered:
.L_overlay_start_1:
0x0: {  	(tag) =	ssettag $0x1  }
0x1: {  	s0 =	rddreg [dreg:$0x0];
	s1 =	stileid.u32  }
0x2: {  	s2 =	rddreg [dreg:$0x1];
	s3 =	smul.u32 $0x28, s1  }
0x3: {  	s4 =	rddreg [dreg:$0x2];
	s5 =	simm.s32 $0x0  }
0x4: {  	[smem:$0x7FF] =	sst s5;
	s3 =	sadd.s32 s3, s0  }
0x5: {  	s22 =	simm.s32 $0x5;
	_ =	strace $0x80000047;
	s3 =	sadd.s32 $0x4200, s3  }
0x6: {  	[tilespmem:s5], [sflag:$0x5] =	stream.linear.gather [hbm4b:s3+s5], $0x140, $0x38;
	[tilespmem:$0x5140] =	vst v63  }
0x7: {  	_ =	swait.ge [sflag:s22], $0x140  }
0x8: {  	s6 =	simm.s32 $0x50;
	[sflag:s22] =	ssyncset.done $0x0  }
0x9: {  	s7 =	simm.s32 $0x140;
	s0 =	sadd.s32 $0x2000, s0;
	[sflag:s22] =	ssyncadd.s32 $0xFFFFFEC0  }
0xa: {  	[tilespmem:s7], [sflag:$0x1] =	stream.indirect.gather [hbm4b:s0+s6], $0x40, s5, s6, $0xb8;
	[tilespmem:$0x5140] =	vst v63  }
0xb: {  	s8 =	simm.s32 $0x1540  }
0xc: {  	[tilespmem:s8], [sflag:$0x2] =	stream.indirect.gather [hbm4b:s0+s6], $0x40, s6, s6, $0xb8;
	[tilespmem:$0x5140] =	vst v63  }
0xd: {  	s23 =	simm.s32 $0xA0;
	s9 =	simm.s32 $0x2940  }
0xe: {  	[tilespmem:s9], [sflag:$0x3] =	stream.indirect.gather [hbm4b:s0+s6], $0x40, s23, s6, $0xb8;
	[tilespmem:$0x5140] =	vst v63  }
0xf: {  	s24 =	simm.s32 $0xF0;
	s25 =	simm.s32 $0x3D40;
	s26 =	simm.s32 $0x1  }
0x10: {  	[tilespmem:s25], [sflag:$0x4] =	stream.indirect.gather [hbm4b:s0+s6], $0x40, s24, s6, $0xb8;
	[tilespmem:$0x5140] =	vst v63  }
0x11: {  	_ =	swait.ge [sflag:s26], $0x1400  }
0x12: {  	[sflag:s26] =	ssyncset.done $0x0  }
0x13: {  	s28 =	simm.s32 $0x2;
	[sflag:s26] =	ssyncadd.s32 $0xFFFFEC00  }
0x14: {  	_ =	swait.ge [sflag:s28], $0x1400  }
0x15: {  	[sflag:s28] =	ssyncset.done $0x0  }
0x16: {  	s29 =	simm.s32 $0x3;
	[sflag:s28] =	ssyncadd.s32 $0xFFFFEC00  }
0x17: {  	_ =	swait.ge [sflag:s29], $0x1400  }
0x18: {  	[sflag:s29] =	ssyncset.done $0x0  }
0x19: {  	s30 =	simm.s32 $0x4;
	[sflag:s29] =	ssyncadd.s32 $0xFFFFEC00  }
0x1a: {  	s31 =	smul.u32 $0xA00, s1;
	_ =	swait.ge [sflag:s30], $0x1400  }
0x1b: {  	[sflag:s30] =	ssyncset.done $0x0  }
0x1c: {  	s2 =	sadd.s32 s2, s31;
	[sflag:s30] =	ssyncadd.s32 $0xFFFFEC00  }
0x1d: {  	[hbm4b:s2+s5] =	stream.linear.scatter [tilespmem:s7], [sflag:$0x5], $0x5000, $0x38;
	[tilespmem:$0x5140] =	vst v63  }
0x1e: {  	_ =	swait.ge [sflag:s22], $0x5000  }
0x1f: {  	[sflag:s22] =	ssyncset.done $0x0  }
0x20: {  	[sflag:s22] =	ssyncadd.s32 $0xFFFFB000  }
0x21: {  	_ =	sfence.sel $0x180000  }
0x22: {  	[bflag:$0x0] =	sbarrier.arrive $0xFFFF  }
0x23: {  	p0 =	sne.s32 s1, $0x0;
	_ =	strace $0x90000047  }
0x24: {  	s0 =	sadd.s32 @!p0 $0x100000, s4;
	[bflag:$0x2] =	sbarrier.arrive $0xFFFF  }
0x25: {  	[sflag:s0] =	ssyncadd.tile.s32 @!p0 $0x1;
	_ =	shalt  }
.Lfunc_end2:
_tile_overlayer_lowered:
.L_overlay_start_2:
0x26: {  	(tag) =	ssettag $0x2  }
0x27: {  	s0 =	rddreg [dreg:$0x0];
	s2 =	stileid.u32  }
0x28: {  	s1 =	rddreg [dreg:$0x1];
	p0 =	sne.s32 s2, $0x0  }
0x29: {  	s3 =	rddreg [dreg:$0x2];
	[bflag:$0x3] =	sbarrier.arrive $0xFFFF;
	s2 =	simm.s32 @!p0 $0x1C05  }
0x2a: {  	[timem:s3], [sflag:s2] =	dma.local @!p0 [hbm:s0], s1  }
0x2b: {  	s0 =	simm.s32 @!p0 $0x5  }
0x2c: {  	_ =	swait.ge @!p0 [sflag:s0], s1  }
0x2d: {  	s1 =	ssub.s32 @!p0 $0x0, s1;
	[sflag:s0] =	ssyncset.done @!p0 $0x0  }
0x2e: {  	[sflag:s0] =	ssyncadd.s32 @!p0 s1  }
0x2f: {  	[bflag:$0x3] =	sbarrier.arrive $0xFFFF  }
0x30: {  	_ =	shalt  }

</sc_bundles>
